<compile_context>
chip_gen: v7x
topology: tpu7x:2x2x1
jax: 0.10.2.dev20260603
libtpu: 0.0.44.dev20260713+nightly
codegen_flags: <defaults>
</compile_context>

<pallas_src>
import functools

import jax
import jax.numpy as jnp
from jax import lax
from jax.experimental import pallas as pl
from jax.experimental.pallas import tpu as pltpu
from jax.experimental.pallas import tpu_sc as plsc

D = 1024
B = 4 * 8192
NC, NS = 2, 16
NW = NC * NS
B_PER_W = B // NW
R = 16
NBUF = 4
NCHUNK = B_PER_W // R


@functools.partial(
    pl.kernel,
    out_type=jax.ShapeDtypeStruct((B, D), jnp.float32),
    mesh=plsc.VectorSubcoreMesh(core_axis_name="c", subcore_axis_name="s"),
    scratch_types=[
        pltpu.VMEM((B_PER_W,), jnp.int32),
        pltpu.VMEM((NBUF, R, D), jnp.float32),
        pltpu.SemaphoreType.DMA,
        pltpu.SemaphoreType.DMA,
        pltpu.SemaphoreType.DMA,
        pltpu.SemaphoreType.DMA,
    ],
)
def _embed_lookup(table_hbm, idx_hbm, out_hbm, idx_v, bufs, g0, g1, g2, g3):
    wid = lax.axis_index("c") * NS + lax.axis_index("s")
    base = wid * B_PER_W
    pltpu.sync_copy(idx_hbm.at[pl.ds(base, B_PER_W)], idx_v)

    gsems = (g0, g1, g2, g3)

    def gather_start(c, b):
        pltpu.async_copy(
            table_hbm.at[idx_v.at[pl.ds(c * R, R)]], bufs.at[b], gsems[b]
        )

    def gather_wait(b):
        pltpu.make_async_copy(
            table_hbm.at[pl.ds(0, R)], bufs.at[b], gsems[b]
        ).wait()

    def store(c, b):
        pltpu.sync_copy(bufs.at[b], out_hbm.at[pl.ds(base + c * R, R)])

    for b in range(NBUF):
        gather_start(b, b)

    def body(i, carry):
        c = i * NBUF
        for b in range(NBUF):
            gather_wait(b)
            store(c + b, b)
            gather_start(c + b + NBUF, b)
        return carry

    lax.fori_loop(0, NCHUNK // NBUF - 1, body, 0)
    for b in range(NBUF):
        gather_wait(b)
        store(NCHUNK - NBUF + b, b)


def kernel(x, table):
    idx = x.reshape(-1).astype(jnp.int32)
    out = _embed_lookup(table, idx)
    return out.reshape(x.shape + (table.shape[1],))

# --- scband reference (transcript-rebuilt; emitter-appended) ---
"""Pipeline reference for scband-byte-embedding-58892591563180 (READ-ONLY COPY).

The authoritative reference and input builder live on the scoring server;
editing this copy changes nothing except your own understanding.
"""

import jax, jax.numpy as jnp
import numpy as np

D_MODEL = 1024

def setup_inputs(seed: int = 0) -> dict:
    key = jax.random.key(seed)
    k1, k2 = jax.random.split(key)
    x = jax.random.randint(k1, (4, 8192), 0, 256, dtype=jnp.int64)
    # nn.Embedding default init: N(0, 1)
    table = jax.random.normal(k2, (256, D_MODEL), dtype=jnp.float32)
    return {"x": x, "table": table}

def reference(x, table):
    # Faithful translation of nn.Embedding lookup: out[b, s, :] = table[x[b, s], :]
    return jnp.take(table, x, axis=0)

if __name__ == "__main__":
    import jax
    _d = setup_inputs()
    print(jax.jit(kernel)(*tuple(_d.values())))

</pallas_src>

<mosaic_0001>
#map = affine_map<(d0, d1) -> (0, 0)>
#map1 = affine_map<(d0, d1) -> (0)>
module attributes {stable_mosaic.version = 14 : i64} {
  func.func @_embed_lookup(%arg0: i32, %arg1: i32, %arg2: memref<256x1024xf32, #tpu.memory_space<hbm>>, %arg3: memref<32768xi32, #tpu.memory_space<hbm>>, %arg4: memref<32768x1024xf32, #tpu.memory_space<hbm>>, %arg5: memref<1024xi32, #tpu.memory_space<vmem>>, %arg6: memref<4x16x1024xf32, #tpu.memory_space<vmem>>, %arg7: memref<!tpu.dma_semaphore, #tpu.memory_space<semaphore_mem>>, %arg8: memref<!tpu.dma_semaphore, #tpu.memory_space<semaphore_mem>>, %arg9: memref<!tpu.dma_semaphore, #tpu.memory_space<semaphore_mem>>, %arg10: memref<!tpu.dma_semaphore, #tpu.memory_space<semaphore_mem>>) attributes {dimension_semantics = [#tpu.dimension_semantics<core_parallel>, #tpu.dimension_semantics<subcore_parallel>], iteration_bounds = array<i64: 2, 16>, scalar_prefetch = 0 : i64, scratch_operands = 6 : i64, tpu.core_type = #tpu.core_type<sc_vector_subcore>, window_params = [{transform_indices = #map}, {transform_indices = #map1}, {transform_indices = #map}]} {
    %mul3A = arith.constant 16 : i32
    %mul3A_0 = arith.muli %arg0, %mul3A : i32
    %add3A = arith.addi %mul3A_0, %arg1 : i32
    %mul3A_1 = arith.constant 1024 : i32
    %mul3A_2 = arith.muli %add3A, %mul3A_1 : i32
    "tpu.region"() ({
      %run_scoped3A_117 = tpu.sem_alloc : memref<!tpu.dma_semaphore, #tpu.memory_space<semaphore_mem>>
      %dma_start3A_118 = tpu.memref_slice %arg3[%mul3A_2] : memref<32768xi32, #tpu.memory_space<hbm>> -> memref<1024xi32, #tpu.memory_space<hbm>>
      %dma_start3A_119 = tpu.memref_slice %arg3[%mul3A_2] : memref<32768xi32, #tpu.memory_space<hbm>> -> memref<1024xi32, #tpu.memory_space<hbm>>
      tpu.enqueue_dma source(%dma_start3A_119 : memref<1024xi32, #tpu.memory_space<hbm>>) target(%arg5 : memref<1024xi32, #tpu.memory_space<vmem>>) target_semaphore(%run_scoped3A_117 : memref<!tpu.dma_semaphore, #tpu.memory_space<semaphore_mem>>)
      %dma_wait3A_120 = tpu.memref_slice %arg3[%mul3A_2] : memref<32768xi32, #tpu.memory_space<hbm>> -> memref<1024xi32, #tpu.memory_space<hbm>>
      %dma_wait3A_121 = tpu.memref_slice %arg3[%mul3A_2] : memref<32768xi32, #tpu.memory_space<hbm>> -> memref<1024xi32, #tpu.memory_space<hbm>>
      tpu.wait_dma2 semaphore(%run_scoped3A_117 : memref<!tpu.dma_semaphore, #tpu.memory_space<semaphore_mem>>) src(%dma_wait3A_121 : memref<1024xi32, #tpu.memory_space<hbm>>) dst(%arg5 : memref<1024xi32, #tpu.memory_space<vmem>>)
      tpu.yield
    }) : () -> ()
    %dma_start3A = arith.constant 0 : i32
    %dma_start3A_3 = arith.constant 0 : i32
    %dma_start3A_4 = arith.constant 0 : i32
    %dma_start3A_5 = tpu.memref_slice %arg6[%dma_start3A, %dma_start3A_3, %dma_start3A_4] : memref<4x16x1024xf32, #tpu.memory_space<vmem>> -> memref<1x16x1024xf32, #tpu.memory_space<vmem>>
    %dma_start3A_6 = tpu.memref_squeeze %dma_start3A_5 : memref<1x16x1024xf32, #tpu.memory_space<vmem>> -> memref<16x1024xf32, #tpu.memory_space<vmem>>
    %dma_start3A_7 = arith.constant 0 : i32
    %dma_start3A_8 = tpu.memref_slice %arg5[%dma_start3A_7] : memref<1024xi32, #tpu.memory_space<vmem>> -> memref<16xi32, #tpu.memory_space<vmem>>
    %dma_start3A_9 = arith.constant 0 : i32
    %dma_start3A_10 = arith.constant 0 : i32
    %dma_start3A_11 = tpu.memref_slice %arg2[%dma_start3A_9, %dma_start3A_10] : memref<256x1024xf32, #tpu.memory_space<hbm>> -> memref<256x1024xf32, #tpu.memory_space<hbm>>
    tpu.enqueue_indirect_dma source(%dma_start3A_11 : memref<256x1024xf32, #tpu.memory_space<hbm>>) target(%dma_start3A_6 : memref<16x1024xf32, #tpu.memory_space<vmem>>) offsets(%dma_start3A_8 : memref<16xi32, #tpu.memory_space<vmem>>) semaphore(%arg7 : memref<!tpu.dma_semaphore, #tpu.memory_space<semaphore_mem>>)
    %dma_start3A_12 = arith.constant 1 : i32
    %dma_start3A_13 = arith.constant 0 : i32
    %dma_start3A_14 = arith.constant 0 : i32
    %dma_start3A_15 = tpu.memref_slice %arg6[%dma_start3A_12, %dma_start3A_13, %dma_start3A_14] : memref<4x16x1024xf32, #tpu.memory_space<vmem>> -> memref<1x16x1024xf32, #tpu.memory_space<vmem>>
    %dma_start3A_16 = tpu.memref_squeeze %dma_start3A_15 : memref<1x16x1024xf32, #tpu.memory_space<vmem>> -> memref<16x1024xf32, #tpu.memory_space<vmem>>
    %dma_start3A_17 = arith.constant 16 : i32
    %dma_start3A_18 = tpu.memref_slice %arg5[%dma_start3A_17] : memref<1024xi32, #tpu.memory_space<vmem>> -> memref<16xi32, #tpu.memory_space<vmem>>
    %dma_start3A_19 = arith.constant 0 : i32
    %dma_start3A_20 = arith.constant 0 : i32
    %dma_start3A_21 = tpu.memref_slice %arg2[%dma_start3A_19, %dma_start3A_20] : memref<256x1024xf32, #tpu.memory_space<hbm>> -> memref<256x1024xf32, #tpu.memory_space<hbm>>
    tpu.enqueue_indirect_dma source(%dma_start3A_21 : memref<256x1024xf32, #tpu.memory_space<hbm>>) target(%dma_start3A_16 : memref<16x1024xf32, #tpu.memory_space<vmem>>) offsets(%dma_start3A_18 : memref<16xi32, #tpu.memory_space<vmem>>) semaphore(%arg8 : memref<!tpu.dma_semaphore, #tpu.memory_space<semaphore_mem>>)
    %dma_start3A_22 = arith.constant 2 : i32
    %dma_start3A_23 = arith.constant 0 : i32
    %dma_start3A_24 = arith.constant 0 : i32
    %dma_start3A_25 = tpu.memref_slice %arg6[%dma_start3A_22, %dma_start3A_23, %dma_start3A_24] : memref<4x16x1024xf32, #tpu.memory_space<vmem>> -> memref<1x16x1024xf32, #tpu.memory_space<vmem>>
    %dma_start3A_26 = tpu.memref_squeeze %dma_start3A_25 : memref<1x16x1024xf32, #tpu.memory_space<vmem>> -> memref<16x1024xf32, #tpu.memory_space<vmem>>
    %dma_start3A_27 = arith.constant 32 : i32
    %dma_start3A_28 = tpu.memref_slice %arg5[%dma_start3A_27] : memref<1024xi32, #tpu.memory_space<vmem>> -> memref<16xi32, #tpu.memory_space<vmem>>
    %dma_start3A_29 = arith.constant 0 : i32
    %dma_start3A_30 = arith.constant 0 : i32
    %dma_start3A_31 = tpu.memref_slice %arg2[%dma_start3A_29, %dma_start3A_30] : memref<256x1024xf32, #tpu.memory_space<hbm>> -> memref<256x1024xf32, #tpu.memory_space<hbm>>
    tpu.enqueue_indirect_dma source(%dma_start3A_31 : memref<256x1024xf32, #tpu.memory_space<hbm>>) target(%dma_start3A_26 : memref<16x1024xf32, #tpu.memory_space<vmem>>) offsets(%dma_start3A_28 : memref<16xi32, #tpu.memory_space<vmem>>) semaphore(%arg9 : memref<!tpu.dma_semaphore, #tpu.memory_space<semaphore_mem>>)
    %dma_start3A_32 = arith.constant 3 : i32
    %dma_start3A_33 = arith.constant 0 : i32
    %dma_start3A_34 = arith.constant 0 : i32
    %dma_start3A_35 = tpu.memref_slice %arg6[%dma_start3A_32, %dma_start3A_33, %dma_start3A_34] : memref<4x16x1024xf32, #tpu.memory_space<vmem>> -> memref<1x16x1024xf32, #tpu.memory_space<vmem>>
    %dma_start3A_36 = tpu.memref_squeeze %dma_start3A_35 : memref<1x16x1024xf32, #tpu.memory_space<vmem>> -> memref<16x1024xf32, #tpu.memory_space<vmem>>
    %dma_start3A_37 = arith.constant 48 : i32
    %dma_start3A_38 = tpu.memref_slice %arg5[%dma_start3A_37] : memref<1024xi32, #tpu.memory_space<vmem>> -> memref<16xi32, #tpu.memory_space<vmem>>
    %dma_start3A_39 = arith.constant 0 : i32
    %dma_start3A_40 = arith.constant 0 : i32
    %dma_start3A_41 = tpu.memref_slice %arg2[%dma_start3A_39, %dma_start3A_40] : memref<256x1024xf32, #tpu.memory_space<hbm>> -> memref<256x1024xf32, #tpu.memory_space<hbm>>
    tpu.enqueue_indirect_dma source(%dma_start3A_41 : memref<256x1024xf32, #tpu.memory_space<hbm>>) target(%dma_start3A_36 : memref<16x1024xf32, #tpu.memory_space<vmem>>) offsets(%dma_start3A_38 : memref<16xi32, #tpu.memory_space<vmem>>) semaphore(%arg10 : memref<!tpu.dma_semaphore, #tpu.memory_space<semaphore_mem>>)
    %scan3A = arith.constant 0 : i32
    %scan3A_42 = arith.constant 0 : i32
    %scan3A_43 = arith.constant 15 : i32
    %scan3A_44 = arith.addi %scan3A_42, %scan3A_43 : i32
    %scan3A_45 = arith.constant 1 : i32
    scf.for %scan3A_117 = %scan3A_42 to %scan3A_44 step %scan3A_45  : i32 {
      %mul3A_118 = arith.constant 4 : i32
      %mul3A_119 = arith.muli %scan3A_117, %mul3A_118 : i32
      %dma_wait3A_120 = arith.constant 0 : i32
      %dma_wait3A_121 = arith.constant 0 : i32
      %dma_wait3A_122 = arith.constant 0 : i32
      %dma_wait3A_123 = tpu.memref_slice %arg6[%dma_wait3A_120, %dma_wait3A_121, %dma_wait3A_122] : memref<4x16x1024xf32, #tpu.memory_space<vmem>> -> memref<1x16x1024xf32, #tpu.memory_space<vmem>>
      %dma_wait3A_124 = tpu.memref_squeeze %dma_wait3A_123 : memref<1x16x1024xf32, #tpu.memory_space<vmem>> -> memref<16x1024xf32, #tpu.memory_space<vmem>>
      %dma_wait3A_125 = arith.constant 0 : i32
      %dma_wait3A_126 = arith.constant 0 : i32
      %dma_wait3A_127 = tpu.memref_slice %arg2[%dma_wait3A_125, %dma_wait3A_126] : memref<256x1024xf32, #tpu.memory_space<hbm>> -> memref<16x1024xf32, #tpu.memory_space<hbm>>
      %dma_wait3A_128 = arith.constant 0 : i32
      %dma_wait3A_129 = arith.constant 0 : i32
      %dma_wait3A_130 = tpu.memref_slice %arg6[%dma_wait3A_120, %dma_wait3A_128, %dma_wait3A_129] : memref<4x16x1024xf32, #tpu.memory_space<vmem>> -> memref<1x16x1024xf32, #tpu.memory_space<vmem>>
      %dma_wait3A_131 = tpu.memref_squeeze %dma_wait3A_130 : memref<1x16x1024xf32, #tpu.memory_space<vmem>> -> memref<16x1024xf32, #tpu.memory_space<vmem>>
      %dma_wait3A_132 = arith.constant 0 : i32
      %dma_wait3A_133 = arith.constant 0 : i32
      %dma_wait3A_134 = tpu.memref_slice %arg2[%dma_wait3A_132, %dma_wait3A_133] : memref<256x1024xf32, #tpu.memory_space<hbm>> -> memref<16x1024xf32, #tpu.memory_space<hbm>>
      tpu.wait_dma2 semaphore(%arg7 : memref<!tpu.dma_semaphore, #tpu.memory_space<semaphore_mem>>) src(%dma_wait3A_134 : memref<16x1024xf32, #tpu.memory_space<hbm>>) dst(%dma_wait3A_131 : memref<16x1024xf32, #tpu.memory_space<vmem>>)
      %add3A_135 = arith.constant 0 : i32
      %add3A_136 = arith.addi %mul3A_119, %add3A_135 : i32
      %mul3A_137 = arith.constant 16 : i32
      %mul3A_138 = arith.muli %add3A_136, %mul3A_137 : i32
      %add3A_139 = arith.addi %mul3A_2, %mul3A_138 : i32
      %run_scoped3A_140 = arith.constant 0 : i32
      "tpu.region"() ({
        %run_scoped3A_264 = tpu.sem_alloc : memref<!tpu.dma_semaphore, #tpu.memory_space<semaphore_mem>>
        %dma_start3A_265 = arith.constant 0 : i32
        %dma_start3A_266 = arith.constant 0 : i32
        %dma_start3A_267 = tpu.memref_slice %arg6[%run_scoped3A_140, %dma_start3A_265, %dma_start3A_266] : memref<4x16x1024xf32, #tpu.memory_space<vmem>> -> memref<1x16x1024xf32, #tpu.memory_space<vmem>>
        %dma_start3A_268 = tpu.memref_squeeze %dma_start3A_267 : memref<1x16x1024xf32, #tpu.memory_space<vmem>> -> memref<16x1024xf32, #tpu.memory_space<vmem>>
        %dma_start3A_269 = arith.constant 0 : i32
        %dma_start3A_270 = tpu.memref_slice %arg4[%add3A_139, %dma_start3A_269] : memref<32768x1024xf32, #tpu.memory_space<hbm>> -> memref<16x1024xf32, #tpu.memory_space<hbm>>
        %dma_start3A_271 = arith.constant 0 : i32
        %dma_start3A_272 = tpu.memref_slice %arg4[%add3A_139, %dma_start3A_271] : memref<32768x1024xf32, #tpu.memory_space<hbm>> -> memref<16x1024xf32, #tpu.memory_space<hbm>>
        %dma_start3A_273 = arith.constant 0 : i32
        %dma_start3A_274 = arith.constant 0 : i32
        %dma_start3A_275 = tpu.memref_slice %arg6[%run_scoped3A_140, %dma_start3A_273, %dma_start3A_274] : memref<4x16x1024xf32, #tpu.memory_space<vmem>> -> memref<1x16x1024xf32, #tpu.memory_space<vmem>>
        %dma_start3A_276 = tpu.memref_squeeze %dma_start3A_275 : memref<1x16x1024xf32, #tpu.memory_space<vmem>> -> memref<16x1024xf32, #tpu.memory_space<vmem>>
        tpu.enqueue_dma source(%dma_start3A_276 : memref<16x1024xf32, #tpu.memory_space<vmem>>) target(%dma_start3A_272 : memref<16x1024xf32, #tpu.memory_space<hbm>>) target_semaphore(%run_scoped3A_264 : memref<!tpu.dma_semaphore, #tpu.memory_space<semaphore_mem>>)
        %dma_wait3A_277 = arith.constant 0 : i32
        %dma_wait3A_278 = arith.constant 0 : i32
        %dma_wait3A_279 = tpu.memref_slice %arg6[%run_scoped3A_140, %dma_wait3A_277, %dma_wait3A_278] : memref<4x16x1024xf32, #tpu.memory_space<vmem>> -> memref<1x16x1024xf32, #tpu.memory_space<vmem>>
        %dma_wait3A_280 = tpu.memref_squeeze %dma_wait3A_279 : memref<1x16x1024xf32, #tpu.memory_space<vmem>> -> memref<16x1024xf32, #tpu.memory_space<vmem>>
        %dma_wait3A_281 = arith.constant 0 : i32
        %dma_wait3A_282 = tpu.memref_slice %arg4[%add3A_139, %dma_wait3A_281] : memref<32768x1024xf32, #tpu.memory_space<hbm>> -> memref<16x1024xf32, #tpu.memory_space<hbm>>
        %dma_wait3A_283 = arith.constant 0 : i32
        %dma_wait3A_284 = tpu.memref_slice %arg4[%add3A_139, %dma_wait3A_283] : memref<32768x1024xf32, #tpu.memory_space<hbm>> -> memref<16x1024xf32, #tpu.memory_space<hbm>>
        %dma_wait3A_285 = arith.constant 0 : i32
        %dma_wait3A_286 = arith.constant 0 : i32
        %dma_wait3A_287 = tpu.memref_slice %arg6[%run_scoped3A_140, %dma_wait3A_285, %dma_wait3A_286] : memref<4x16x1024xf32, #tpu.memory_space<vmem>> -> memref<1x16x1024xf32, #tpu.memory_space<vmem>>
        %dma_wait3A_288 = tpu.memref_squeeze %dma_wait3A_287 : memref<1x16x1024xf32, #tpu.memory_space<vmem>> -> memref<16x1024xf32, #tpu.memory_space<vmem>>
        tpu.wait_dma2 semaphore(%run_scoped3A_264 : memref<!tpu.dma_semaphore, #tpu.memory_space<semaphore_mem>>) src(%dma_wait3A_288 : memref<16x1024xf32, #tpu.memory_space<vmem>>) dst(%dma_wait3A_284 : memref<16x1024xf32, #tpu.memory_space<hbm>>)
        tpu.yield
      }) : () -> ()
      %add3A_141 = arith.constant 0 : i32
      %add3A_142 = arith.addi %mul3A_119, %add3A_141 : i32
      %add3A_143 = arith.constant 4 : i32
      %add3A_144 = arith.addi %add3A_142, %add3A_143 : i32
      %mul3A_145 = arith.constant 16 : i32
      %mul3A_146 = arith.muli %add3A_144, %mul3A_145 : i32
      %dma_start3A_147 = arith.constant 0 : i32
      %dma_start3A_148 = arith.constant 0 : i32
      %dma_start3A_149 = arith.constant 0 : i32
      %dma_start3A_150 = tpu.memref_slice %arg6[%dma_start3A_147, %dma_start3A_148, %dma_start3A_149] : memref<4x16x1024xf32, #tpu.memory_space<vmem>> -> memref<1x16x1024xf32, #tpu.memory_space<vmem>>
      %dma_start3A_151 = tpu.memref_squeeze %dma_start3A_150 : memref<1x16x1024xf32, #tpu.memory_space<vmem>> -> memref<16x1024xf32, #tpu.memory_space<vmem>>
      %dma_start3A_152 = tpu.memref_slice %arg5[%mul3A_146] : memref<1024xi32, #tpu.memory_space<vmem>> -> memref<16xi32, #tpu.memory_space<vmem>>
      %dma_start3A_153 = arith.constant 0 : i32
      %dma_start3A_154 = arith.constant 0 : i32
      %dma_start3A_155 = tpu.memref_slice %arg2[%dma_start3A_153, %dma_start3A_154] : memref<256x1024xf32, #tpu.memory_space<hbm>> -> memref<256x1024xf32, #tpu.memory_space<hbm>>
      tpu.enqueue_indirect_dma source(%dma_start3A_155 : memref<256x1024xf32, #tpu.memory_space<hbm>>) target(%dma_start3A_151 : memref<16x1024xf32, #tpu.memory_space<vmem>>) offsets(%dma_start3A_152 : memref<16xi32, #tpu.memory_space<vmem>>) semaphore(%arg7 : memref<!tpu.dma_semaphore, #tpu.memory_space<semaphore_mem>>)
      %dma_wait3A_156 = arith.constant 1 : i32
      %dma_wait3A_157 = arith.constant 0 : i32
      %dma_wait3A_158 = arith.constant 0 : i32
      %dma_wait3A_159 = tpu.memref_slice %arg6[%dma_wait3A_156, %dma_wait3A_157, %dma_wait3A_158] : memref<4x16x1024xf32, #tpu.memory_space<vmem>> -> memref<1x16x1024xf32, #tpu.memory_space<vmem>>
      %dma_wait3A_160 = tpu.memref_squeeze %dma_wait3A_159 : memref<1x16x1024xf32, #tpu.memory_space<vmem>> -> memref<16x1024xf32, #tpu.memory_space<vmem>>
      %dma_wait3A_161 = arith.constant 0 : i32
      %dma_wait3A_162 = arith.constant 0 : i32
      %dma_wait3A_163 = tpu.memref_slice %arg2[%dma_wait3A_161, %dma_wait3A_162] : memref<256x1024xf32, #tpu.memory_space<hbm>> -> memref<16x1024xf32, #tpu.memory_space<hbm>>
      %dma_wait3A_164 = arith.constant 0 : i32
      %dma_wait3A_165 = arith.constant 0 : i32
      %dma_wait3A_166 = tpu.memref_slice %arg6[%dma_wait3A_156, %dma_wait3A_164, %dma_wait3A_165] : memref<4x16x1024xf32, #tpu.memory_space<vmem>> -> memref<1x16x1024xf32, #tpu.memory_space<vmem>>
      %dma_wait3A_167 = tpu.memref_squeeze %dma_wait3A_166 : memref<1x16x1024xf32, #tpu.memory_space<vmem>> -> memref<16x1024xf32, #tpu.memory_space<vmem>>
      %dma_wait3A_168 = arith.constant 0 : i32
      %dma_wait3A_169 = arith.constant 0 : i32
      %dma_wait3A_170 = tpu.memref_slice %arg2[%dma_wait3A_168, %dma_wait3A_169] : memref<256x1024xf32, #tpu.memory_space<hbm>> -> memref<16x1024xf32, #tpu.memory_space<hbm>>
      tpu.wait_dma2 semaphore(%arg8 : memref<!tpu.dma_semaphore, #tpu.memory_space<semaphore_mem>>) src(%dma_wait3A_170 : memref<16x1024xf32, #tpu.memory_space<hbm>>) dst(%dma_wait3A_167 : memref<16x1024xf32, #tpu.memory_space<vmem>>)
      %add3A_171 = arith.constant 1 : i32
      %add3A_172 = arith.addi %mul3A_119, %add3A_171 : i32
      %mul3A_173 = arith.constant 16 : i32
      %mul3A_174 = arith.muli %add3A_172, %mul3A_173 : i32
      %add3A_175 = arith.addi %mul3A_2, %mul3A_174 : i32
      %run_scoped3A_176 = arith.constant 1 : i32
      "tpu.region"() ({
        %run_scoped3A_264 = tpu.sem_alloc : memref<!tpu.dma_semaphore, #tpu.memory_space<semaphore_mem>>
        %dma_start3A_265 = arith.constant 0 : i32
        %dma_start3A_266 = arith.constant 0 : i32
        %dma_start3A_267 = tpu.memref_slice %arg6[%run_scoped3A_176, %dma_start3A_265, %dma_start3A_266] : memref<4x16x1024xf32, #tpu.memory_space<vmem>> -> memref<1x16x1024xf32, #tpu.memory_space<vmem>>
        %dma_start3A_268 = tpu.memref_squeeze %dma_start3A_267 : memref<1x16x1024xf32, #tpu.memory_space<vmem>> -> memref<16x1024xf32, #tpu.memory_space<vmem>>
        %dma_start3A_269 = arith.constant 0 : i32
        %dma_start3A_270 = tpu.memref_slice %arg4[%add3A_175, %dma_start3A_269] : memref<32768x1024xf32, #tpu.memory_space<hbm>> -> memref<16x1024xf32, #tpu.memory_space<hbm>>
        %dma_start3A_271 = arith.constant 0 : i32
        %dma_start3A_272 = tpu.memref_slice %arg4[%add3A_175, %dma_start3A_271] : memref<32768x1024xf32, #tpu.memory_space<hbm>> -> memref<16x1024xf32, #tpu.memory_space<hbm>>
        %dma_start3A_273 = arith.constant 0 : i32
        %dma_start3A_274 = arith.constant 0 : i32
        %dma_start3A_275 = tpu.memref_slice %arg6[%run_scoped3A_176, %dma_start3A_273, %dma_start3A_274] : memref<4x16x1024xf32, #tpu.memory_space<vmem>> -> memref<1x16x1024xf32, #tpu.memory_space<vmem>>
        %dma_start3A_276 = tpu.memref_squeeze %dma_start3A_275 : memref<1x16x1024xf32, #tpu.memory_space<vmem>> -> memref<16x1024xf32, #tpu.memory_space<vmem>>
        tpu.enqueue_dma source(%dma_start3A_276 : memref<16x1024xf32, #tpu.memory_space<vmem>>) target(%dma_start3A_272 : memref<16x1024xf32, #tpu.memory_space<hbm>>) target_semaphore(%run_scoped3A_264 : memref<!tpu.dma_semaphore, #tpu.memory_space<semaphore_mem>>)
        %dma_wait3A_277 = arith.constant 0 : i32
        %dma_wait3A_278 = arith.constant 0 : i32
        %dma_wait3A_279 = tpu.memref_slice %arg6[%run_scoped3A_176, %dma_wait3A_277, %dma_wait3A_278] : memref<4x16x1024xf32, #tpu.memory_space<vmem>> -> memref<1x16x1024xf32, #tpu.memory_space<vmem>>
        %dma_wait3A_280 = tpu.memref_squeeze %dma_wait3A_279 : memref<1x16x1024xf32, #tpu.memory_space<vmem>> -> memref<16x1024xf32, #tpu.memory_space<vmem>>
        %dma_wait3A_281 = arith.constant 0 : i32
        %dma_wait3A_282 = tpu.memref_slice %arg4[%add3A_175, %dma_wait3A_281] : memref<32768x1024xf32, #tpu.memory_space<hbm>> -> memref<16x1024xf32, #tpu.memory_space<hbm>>
        %dma_wait3A_283 = arith.constant 0 : i32
        %dma_wait3A_284 = tpu.memref_slice %arg4[%add3A_175, %dma_wait3A_283] : memref<32768x1024xf32, #tpu.memory_space<hbm>> -> memref<16x1024xf32, #tpu.memory_space<hbm>>
        %dma_wait3A_285 = arith.constant 0 : i32
        %dma_wait3A_286 = arith.constant 0 : i32
        %dma_wait3A_287 = tpu.memref_slice %arg6[%run_scoped3A_176, %dma_wait3A_285, %dma_wait3A_286] : memref<4x16x1024xf32, #tpu.memory_space<vmem>> -> memref<1x16x1024xf32, #tpu.memory_space<vmem>>
        %dma_wait3A_288 = tpu.memref_squeeze %dma_wait3A_287 : memref<1x16x1024xf32, #tpu.memory_space<vmem>> -> memref<16x1024xf32, #tpu.memory_space<vmem>>
        tpu.wait_dma2 semaphore(%run_scoped3A_264 : memref<!tpu.dma_semaphore, #tpu.memory_space<semaphore_mem>>) src(%dma_wait3A_288 : memref<16x1024xf32, #tpu.memory_space<vmem>>) dst(%dma_wait3A_284 : memref<16x1024xf32, #tpu.memory_space<hbm>>)
        tpu.yield
      }) : () -> ()
      %add3A_177 = arith.constant 1 : i32
      %add3A_178 = arith.addi %mul3A_119, %add3A_177 : i32
      %add3A_179 = arith.constant 4 : i32
      %add3A_180 = arith.addi %add3A_178, %add3A_179 : i32
      %mul3A_181 = arith.constant 16 : i32
      %mul3A_182 = arith.muli %add3A_180, %mul3A_181 : i32
      %dma_start3A_183 = arith.constant 1 : i32
      %dma_start3A_184 = arith.constant 0 : i32
      %dma_start3A_185 = arith.constant 0 : i32
      %dma_start3A_186 = tpu.memref_slice %arg6[%dma_start3A_183, %dma_start3A_184, %dma_start3A_185] : memref<4x16x1024xf32, #tpu.memory_space<vmem>> -> memref<1x16x1024xf32, #tpu.memory_space<vmem>>
      %dma_start3A_187 = tpu.memref_squeeze %dma_start3A_186 : memref<1x16x1024xf32, #tpu.memory_space<vmem>> -> memref<16x1024xf32, #tpu.memory_space<vmem>>
      %dma_start3A_188 = tpu.memref_slice %arg5[%mul3A_182] : memref<1024xi32, #tpu.memory_space<vmem>> -> memref<16xi32, #tpu.memory_space<vmem>>
      %dma_start3A_189 = arith.constant 0 : i32
      %dma_start3A_190 = arith.constant 0 : i32
      %dma_start3A_191 = tpu.memref_slice %arg2[%dma_start3A_189, %dma_start3A_190] : memref<256x1024xf32, #tpu.memory_space<hbm>> -> memref<256x1024xf32, #tpu.memory_space<hbm>>
      tpu.enqueue_indirect_dma source(%dma_start3A_191 : memref<256x1024xf32, #tpu.memory_space<hbm>>) target(%dma_start3A_187 : memref<16x1024xf32, #tpu.memory_space<vmem>>) offsets(%dma_start3A_188 : memref<16xi32, #tpu.memory_space<vmem>>) semaphore(%arg8 : memref<!tpu.dma_semaphore, #tpu.memory_space<semaphore_mem>>)
      %dma_wait3A_192 = arith.constant 2 : i32
      %dma_wait3A_193 = arith.constant 0 : i32
      %dma_wait3A_194 = arith.constant 0 : i32
      %dma_wait3A_195 = tpu.memref_slice %arg6[%dma_wait3A_192, %dma_wait3A_193, %dma_wait3A_194] : memref<4x16x1024xf32, #tpu.memory_space<vmem>> -> memref<1x16x1024xf32, #tpu.memory_space<vmem>>
      %dma_wait3A_196 = tpu.memref_squeeze %dma_wait3A_195 : memref<1x16x1024xf32, #tpu.memory_space<vmem>> -> memref<16x1024xf32, #tpu.memory_space<vmem>>
      %dma_wait3A_197 = arith.constant 0 : i32
      %dma_wait3A_198 = arith.constant 0 : i32
      %dma_wait3A_199 = tpu.memref_slice %arg2[%dma_wait3A_197, %dma_wait3A_198] : memref<256x1024xf32, #tpu.memory_space<hbm>> -> memref<16x1024xf32, #tpu.memory_space<hbm>>
      %dma_wait3A_200 = arith.constant 0 : i32
      %dma_wait3A_201 = arith.constant 0 : i32
      %dma_wait3A_202 = tpu.memref_slice %arg6[%dma_wait3A_192, %dma_wait3A_200, %dma_wait3A_201] : memref<4x16x1024xf32, #tpu.memory_space<vmem>> -> memref<1x16x1024xf32, #tpu.memory_space<vmem>>
      %dma_wait3A_203 = tpu.memref_squeeze %dma_wait3A_202 : memref<1x16x1024xf32, #tpu.memory_space<vmem>> -> memref<16x1024xf32, #tpu.memory_space<vmem>>
      %dma_wait3A_204 = arith.constant 0 : i32
      %dma_wait3A_205 = arith.constant 0 : i32
      %dma_wait3A_206 = tpu.memref_slice %arg2[%dma_wait3A_204, %dma_wait3A_205] : memref<256x1024xf32, #tpu.memory_space<hbm>> -> memref<16x1024xf32, #tpu.memory_space<hbm>>
      tpu.wait_dma2 semaphore(%arg9 : memref<!tpu.dma_semaphore, #tpu.memory_space<semaphore_mem>>) src(%dma_wait3A_206 : memref<16x1024xf32, #tpu.memory_space<hbm>>) dst(%dma_wait3A_203 : memref<16x1024xf32, #tpu.memory_space<vmem>>)
      %add3A_207 = arith.constant 2 : i32
      %add3A_208 = arith.addi %mul3A_119, %add3A_207 : i32
      %mul3A_209 = arith.constant 16 : i32
      %mul3A_210 = arith.muli %add3A_208, %mul3A_209 : i32
      %add3A_211 = arith.addi %mul3A_2, %mul3A_210 : i32
      %run_scoped3A_212 = arith.constant 2 : i32
      "tpu.region"() ({
        %run_scoped3A_264 = tpu.sem_alloc : memref<!tpu.dma_semaphore, #tpu.memory_space<semaphore_mem>>
        %dma_start3A_265 = arith.constant 0 : i32
        %dma_start3A_266 = arith.constant 0 : i32
        %dma_start3A_267 = tpu.memref_slice %arg6[%run_scoped3A_212, %dma_start3A_265, %dma_start3A_266] : memref<4x16x1024xf32, #tpu.memory_space<vmem>> -> memref<1x16x1024xf32, #tpu.memory_space<vmem>>
        %dma_start3A_268 = tpu.memref_squeeze %dma_start3A_267 : memref<1x16x1024xf32, #tpu.memory_space<vmem>> -> memref<16x1024xf32, #tpu.memory_space<vmem>>
        %dma_start3A_269 = arith.constant 0 : i32
        %dma_start3A_270 = tpu.memref_slice %arg4[%add3A_211, %dma_start3A_269] : memref<32768x1024xf32, #tpu.memory_space<hbm>> -> memref<16x1024xf32, #tpu.memory_space<hbm>>
        %dma_start3A_271 = arith.constant 0 : i32
        %dma_start3A_272 = tpu.memref_slice %arg4[%add3A_211, %dma_start3A_271] : memref<32768x1024xf32, #tpu.memory_space<hbm>> -> memref<16x1024xf32, #tpu.memory_space<hbm>>
        %dma_start3A_273 = arith.constant 0 : i32
        %dma_start3A_274 = arith.constant 0 : i32
        %dma_start3A_275 = tpu.memref_slice %arg6[%run_scoped3A_212, %dma_start3A_273, %dma_start3A_274] : memref<4x16x1024xf32, #tpu.memory_space<vmem>> -> memref<1x16x1024xf32, #tpu.memory_space<vmem>>
        %dma_start3A_276 = tpu.memref_squeeze %dma_start3A_275 : memref<1x16x1024xf32, #tpu.memory_space<vmem>> -> memref<16x1024xf32, #tpu.memory_space<vmem>>
        tpu.enqueue_dma source(%dma_start3A_276 : memref<16x1024xf32, #tpu.memory_space<vmem>>) target(%dma_start3A_272 : memref<16x1024xf32, #tpu.memory_space<hbm>>) target_semaphore(%run_scoped3A_264 : memref<!tpu.dma_semaphore, #tpu.memory_space<semaphore_mem>>)
        %dma_wait3A_277 = arith.constant 0 : i32
        %dma_wait3A_278 = arith.constant 0 : i32
        %dma_wait3A_279 = tpu.memref_slice %arg6[%run_scoped3A_212, %dma_wait3A_277, %dma_wait3A_278] : memref<4x16x1024xf32, #tpu.memory_space<vmem>> -> memref<1x16x1024xf32, #tpu.memory_space<vmem>>
        %dma_wait3A_280 = tpu.memref_squeeze %dma_wait3A_279 : memref<1x16x1024xf32, #tpu.memory_space<vmem>> -> memref<16x1024xf32, #tpu.memory_space<vmem>>
        %dma_wait3A_281 = arith.constant 0 : i32
        %dma_wait3A_282 = tpu.memref_slice %arg4[%add3A_211, %dma_wait3A_281] : memref<32768x1024xf32, #tpu.memory_space<hbm>> -> memref<16x1024xf32, #tpu.memory_space<hbm>>
        %dma_wait3A_283 = arith.constant 0 : i32
        %dma_wait3A_284 = tpu.memref_slice %arg4[%add3A_211, %dma_wait3A_283] : memref<32768x1024xf32, #tpu.memory_space<hbm>> -> memref<16x1024xf32, #tpu.memory_space<hbm>>
        %dma_wait3A_285 = arith.constant 0 : i32
        %dma_wait3A_286 = arith.constant 0 : i32
        %dma_wait3A_287 = tpu.memref_slice %arg6[%run_scoped3A_212, %dma_wait3A_285, %dma_wait3A_286] : memref<4x16x1024xf32, #tpu.memory_space<vmem>> -> memref<1x16x1024xf32, #tpu.memory_space<vmem>>
        %dma_wait3A_288 = tpu.memref_squeeze %dma_wait3A_287 : memref<1x16x1024xf32, #tpu.memory_space<vmem>> -> memref<16x1024xf32, #tpu.memory_space<vmem>>
        tpu.wait_dma2 semaphore(%run_scoped3A_264 : memref<!tpu.dma_semaphore, #tpu.memory_space<semaphore_mem>>) src(%dma_wait3A_288 : memref<16x1024xf32, #tpu.memory_space<vmem>>) dst(%dma_wait3A_284 : memref<16x1024xf32, #tpu.memory_space<hbm>>)
        tpu.yield
      }) : () -> ()
      %add3A_213 = arith.constant 2 : i32
      %add3A_214 = arith.addi %mul3A_119, %add3A_213 : i32
      %add3A_215 = arith.constant 4 : i32
      %add3A_216 = arith.addi %add3A_214, %add3A_215 : i32
      %mul3A_217 = arith.constant 16 : i32
      %mul3A_218 = arith.muli %add3A_216, %mul3A_217 : i32
      %dma_start3A_219 = arith.constant 2 : i32
      %dma_start3A_220 = arith.constant 0 : i32
      %dma_start3A_221 = arith.constant 0 : i32
      %dma_start3A_222 = tpu.memref_slice %arg6[%dma_start3A_219, %dma_start3A_220, %dma_start3A_221] : memref<4x16x1024xf32, #tpu.memory_space<vmem>> -> memref<1x16x1024xf32, #tpu.memory_space<vmem>>
      %dma_start3A_223 = tpu.memref_squeeze %dma_start3A_222 : memref<1x16x1024xf32, #tpu.memory_space<vmem>> -> memref<16x1024xf32, #tpu.memory_space<vmem>>
      %dma_start3A_224 = tpu.memref_slice %arg5[%mul3A_218] : memref<1024xi32, #tpu.memory_space<vmem>> -> memref<16xi32, #tpu.memory_space<vmem>>
      %dma_start3A_225 = arith.constant 0 : i32
      %dma_start3A_226 = arith.constant 0 : i32
      %dma_start3A_227 = tpu.memref_slice %arg2[%dma_start3A_225, %dma_start3A_226] : memref<256x1024xf32, #tpu.memory_space<hbm>> -> memref<256x1024xf32, #tpu.memory_space<hbm>>
      tpu.enqueue_indirect_dma source(%dma_start3A_227 : memref<256x1024xf32, #tpu.memory_space<hbm>>) target(%dma_start3A_223 : memref<16x1024xf32, #tpu.memory_space<vmem>>) offsets(%dma_start3A_224 : memref<16xi32, #tpu.memory_space<vmem>>) semaphore(%arg9 : memref<!tpu.dma_semaphore, #tpu.memory_space<semaphore_mem>>)
      %dma_wait3A_228 = arith.constant 3 : i32
      %dma_wait3A_229 = arith.constant 0 : i32
      %dma_wait3A_230 = arith.constant 0 : i32
      %dma_wait3A_231 = tpu.memref_slice %arg6[%dma_wait3A_228, %dma_wait3A_229, %dma_wait3A_230] : memref<4x16x1024xf32, #tpu.memory_space<vmem>> -> memref<1x16x1024xf32, #tpu.memory_space<vmem>>
      %dma_wait3A_232 = tpu.memref_squeeze %dma_wait3A_231 : memref<1x16x1024xf32, #tpu.memory_space<vmem>> -> memref<16x1024xf32, #tpu.memory_space<vmem>>
      %dma_wait3A_233 = arith.constant 0 : i32
      %dma_wait3A_234 = arith.constant 0 : i32
      %dma_wait3A_235 = tpu.memref_slice %arg2[%dma_wait3A_233, %dma_wait3A_234] : memref<256x1024xf32, #tpu.memory_space<hbm>> -> memref<16x1024xf32, #tpu.memory_space<hbm>>
      %dma_wait3A_236 = arith.constant 0 : i32
      %dma_wait3A_237 = arith.constant 0 : i32
      %dma_wait3A_238 = tpu.memref_slice %arg6[%dma_wait3A_228, %dma_wait3A_236, %dma_wait3A_237] : memref<4x16x1024xf32, #tpu.memory_space<vmem>> -> memref<1x16x1024xf32, #tpu.memory_space<vmem>>
      %dma_wait3A_239 = tpu.memref_squeeze %dma_wait3A_238 : memref<1x16x1024xf32, #tpu.memory_space<vmem>> -> memref<16x1024xf32, #tpu.memory_space<vmem>>
      %dma_wait3A_240 = arith.constant 0 : i32
      %dma_wait3A_241 = arith.constant 0 : i32
      %dma_wait3A_242 = tpu.memref_slice %arg2[%dma_wait3A_240, %dma_wait3A_241] : memref<256x1024xf32, #tpu.memory_space<hbm>> -> memref<16x1024xf32, #tpu.memory_space<hbm>>
      tpu.wait_dma2 semaphore(%arg10 : memref<!tpu.dma_semaphore, #tpu.memory_space<semaphore_mem>>) src(%dma_wait3A_242 : memref<16x1024xf32, #tpu.memory_space<hbm>>) dst(%dma_wait3A_239 : memref<16x1024xf32, #tpu.memory_space<vmem>>)
      %add3A_243 = arith.constant 3 : i32
      %add3A_244 = arith.addi %mul3A_119, %add3A_243 : i32
      %mul3A_245 = arith.constant 16 : i32
      %mul3A_246 = arith.muli %add3A_244, %mul3A_245 : i32
      %add3A_247 = arith.addi %mul3A_2, %mul3A_246 : i32
      %run_scoped3A_248 = arith.constant 3 : i32
      "tpu.region"() ({
        %run_scoped3A_264 = tpu.sem_alloc : memref<!tpu.dma_semaphore, #tpu.memory_space<semaphore_mem>>
        %dma_start3A_265 = arith.constant 0 : i32
        %dma_start3A_266 = arith.constant 0 : i32
        %dma_start3A_267 = tpu.memref_slice %arg6[%run_scoped3A_248, %dma_start3A_265, %dma_start3A_266] : memref<4x16x1024xf32, #tpu.memory_space<vmem>> -> memref<1x16x1024xf32, #tpu.memory_space<vmem>>
        %dma_start3A_268 = tpu.memref_squeeze %dma_start3A_267 : memref<1x16x1024xf32, #tpu.memory_space<vmem>> -> memref<16x1024xf32, #tpu.memory_space<vmem>>
        %dma_start3A_269 = arith.constant 0 : i32
        %dma_start3A_270 = tpu.memref_slice %arg4[%add3A_247, %dma_start3A_269] : memref<32768x1024xf32, #tpu.memory_space<hbm>> -> memref<16x1024xf32, #tpu.memory_space<hbm>>
        %dma_start3A_271 = arith.constant 0 : i32
        %dma_start3A_272 = tpu.memref_slice %arg4[%add3A_247, %dma_start3A_271] : memref<32768x1024xf32, #tpu.memory_space<hbm>> -> memref<16x1024xf32, #tpu.memory_space<hbm>>
        %dma_start3A_273 = arith.constant 0 : i32
        %dma_start3A_274 = arith.constant 0 : i32
        %dma_start3A_275 = tpu.memref_slice %arg6[%run_scoped3A_248, %dma_start3A_273, %dma_start3A_274] : memref<4x16x1024xf32, #tpu.memory_space<vmem>> -> memref<1x16x1024xf32, #tpu.memory_space<vmem>>
        %dma_start3A_276 = tpu.memref_squeeze %dma_start3A_275 : memref<1x16x1024xf32, #tpu.memory_space<vmem>> -> memref<16x1024xf32, #tpu.memory_space<vmem>>
        tpu.enqueue_dma source(%dma_start3A_276 : memref<16x1024xf32, #tpu.memory_space<vmem>>) target(%dma_start3A_272 : memref<16x1024xf32, #tpu.memory_space<hbm>>) target_semaphore(%run_scoped3A_264 : memref<!tpu.dma_semaphore, #tpu.memory_space<semaphore_mem>>)
        %dma_wait3A_277 = arith.constant 0 : i32
        %dma_wait3A_278 = arith.constant 0 : i32
        %dma_wait3A_279 = tpu.memref_slice %arg6[%run_scoped3A_248, %dma_wait3A_277, %dma_wait3A_278] : memref<4x16x1024xf32, #tpu.memory_space<vmem>> -> memref<1x16x1024xf32, #tpu.memory_space<vmem>>
        %dma_wait3A_280 = tpu.memref_squeeze %dma_wait3A_279 : memref<1x16x1024xf32, #tpu.memory_space<vmem>> -> memref<16x1024xf32, #tpu.memory_space<vmem>>
        %dma_wait3A_281 = arith.constant 0 : i32
        %dma_wait3A_282 = tpu.memref_slice %arg4[%add3A_247, %dma_wait3A_281] : memref<32768x1024xf32, #tpu.memory_space<hbm>> -> memref<16x1024xf32, #tpu.memory_space<hbm>>
        %dma_wait3A_283 = arith.constant 0 : i32
        %dma_wait3A_284 = tpu.memref_slice %arg4[%add3A_247, %dma_wait3A_283] : memref<32768x1024xf32, #tpu.memory_space<hbm>> -> memref<16x1024xf32, #tpu.memory_space<hbm>>
        %dma_wait3A_285 = arith.constant 0 : i32
        %dma_wait3A_286 = arith.constant 0 : i32
        %dma_wait3A_287 = tpu.memref_slice %arg6[%run_scoped3A_248, %dma_wait3A_285, %dma_wait3A_286] : memref<4x16x1024xf32, #tpu.memory_space<vmem>> -> memref<1x16x1024xf32, #tpu.memory_space<vmem>>
        %dma_wait3A_288 = tpu.memref_squeeze %dma_wait3A_287 : memref<1x16x1024xf32, #tpu.memory_space<vmem>> -> memref<16x1024xf32, #tpu.memory_space<vmem>>
        tpu.wait_dma2 semaphore(%run_scoped3A_264 : memref<!tpu.dma_semaphore, #tpu.memory_space<semaphore_mem>>) src(%dma_wait3A_288 : memref<16x1024xf32, #tpu.memory_space<vmem>>) dst(%dma_wait3A_284 : memref<16x1024xf32, #tpu.memory_space<hbm>>)
        tpu.yield
      }) : () -> ()
      %add3A_249 = arith.constant 3 : i32
      %add3A_250 = arith.addi %mul3A_119, %add3A_249 : i32
      %add3A_251 = arith.constant 4 : i32
      %add3A_252 = arith.addi %add3A_250, %add3A_251 : i32
      %mul3A_253 = arith.constant 16 : i32
      %mul3A_254 = arith.muli %add3A_252, %mul3A_253 : i32
      %dma_start3A_255 = arith.constant 3 : i32
      %dma_start3A_256 = arith.constant 0 : i32
      %dma_start3A_257 = arith.constant 0 : i32
      %dma_start3A_258 = tpu.memref_slice %arg6[%dma_start3A_255, %dma_start3A_256, %dma_start3A_257] : memref<4x16x1024xf32, #tpu.memory_space<vmem>> -> memref<1x16x1024xf32, #tpu.memory_space<vmem>>
      %dma_start3A_259 = tpu.memref_squeeze %dma_start3A_258 : memref<1x16x1024xf32, #tpu.memory_space<vmem>> -> memref<16x1024xf32, #tpu.memory_space<vmem>>
      %dma_start3A_260 = tpu.memref_slice %arg5[%mul3A_254] : memref<1024xi32, #tpu.memory_space<vmem>> -> memref<16xi32, #tpu.memory_space<vmem>>
      %dma_start3A_261 = arith.constant 0 : i32
      %dma_start3A_262 = arith.constant 0 : i32
      %dma_start3A_263 = tpu.memref_slice %arg2[%dma_start3A_261, %dma_start3A_262] : memref<256x1024xf32, #tpu.memory_space<hbm>> -> memref<256x1024xf32, #tpu.memory_space<hbm>>
      tpu.enqueue_indirect_dma source(%dma_start3A_263 : memref<256x1024xf32, #tpu.memory_space<hbm>>) target(%dma_start3A_259 : memref<16x1024xf32, #tpu.memory_space<vmem>>) offsets(%dma_start3A_260 : memref<16xi32, #tpu.memory_space<vmem>>) semaphore(%arg10 : memref<!tpu.dma_semaphore, #tpu.memory_space<semaphore_mem>>)
    }
    %scan3A_46 = arith.constant 15 : i32
    %dma_wait3A = arith.constant 0 : i32
    %dma_wait3A_47 = arith.constant 0 : i32
    %dma_wait3A_48 = arith.constant 0 : i32
    %dma_wait3A_49 = tpu.memref_slice %arg6[%dma_wait3A, %dma_wait3A_47, %dma_wait3A_48] : memref<4x16x1024xf32, #tpu.memory_space<vmem>> -> memref<1x16x1024xf32, #tpu.memory_space<vmem>>
    %dma_wait3A_50 = tpu.memref_squeeze %dma_wait3A_49 : memref<1x16x1024xf32, #tpu.memory_space<vmem>> -> memref<16x1024xf32, #tpu.memory_space<vmem>>
    %dma_wait3A_51 = arith.constant 0 : i32
    %dma_wait3A_52 = arith.constant 0 : i32
    %dma_wait3A_53 = tpu.memref_slice %arg2[%dma_wait3A_51, %dma_wait3A_52] : memref<256x1024xf32, #tpu.memory_space<hbm>> -> memref<16x1024xf32, #tpu.memory_space<hbm>>
    %dma_wait3A_54 = arith.constant 0 : i32
    %dma_wait3A_55 = arith.constant 0 : i32
    %dma_wait3A_56 = tpu.memref_slice %arg6[%dma_wait3A, %dma_wait3A_54, %dma_wait3A_55] : memref<4x16x1024xf32, #tpu.memory_space<vmem>> -> memref<1x16x1024xf32, #tpu.memory_space<vmem>>
    %dma_wait3A_57 = tpu.memref_squeeze %dma_wait3A_56 : memref<1x16x1024xf32, #tpu.memory_space<vmem>> -> memref<16x1024xf32, #tpu.memory_space<vmem>>
    %dma_wait3A_58 = arith.constant 0 : i32
    %dma_wait3A_59 = arith.constant 0 : i32
    %dma_wait3A_60 = tpu.memref_slice %arg2[%dma_wait3A_58, %dma_wait3A_59] : memref<256x1024xf32, #tpu.memory_space<hbm>> -> memref<16x1024xf32, #tpu.memory_space<hbm>>
    tpu.wait_dma2 semaphore(%arg7 : memref<!tpu.dma_semaphore, #tpu.memory_space<semaphore_mem>>) src(%dma_wait3A_60 : memref<16x1024xf32, #tpu.memory_space<hbm>>) dst(%dma_wait3A_57 : memref<16x1024xf32, #tpu.memory_space<vmem>>)
    %add3A_61 = arith.constant 960 : i32
    %add3A_62 = arith.addi %mul3A_2, %add3A_61 : i32
    %run_scoped3A = arith.constant 0 : i32
    "tpu.region"() ({
      %run_scoped3A_117 = tpu.sem_alloc : memref<!tpu.dma_semaphore, #tpu.memory_space<semaphore_mem>>
      %dma_start3A_118 = arith.constant 0 : i32
      %dma_start3A_119 = arith.constant 0 : i32
      %dma_start3A_120 = tpu.memref_slice %arg6[%run_scoped3A, %dma_start3A_118, %dma_start3A_119] : memref<4x16x1024xf32, #tpu.memory_space<vmem>> -> memref<1x16x1024xf32, #tpu.memory_space<vmem>>
      %dma_start3A_121 = tpu.memref_squeeze %dma_start3A_120 : memref<1x16x1024xf32, #tpu.memory_space<vmem>> -> memref<16x1024xf32, #tpu.memory_space<vmem>>
      %dma_start3A_122 = arith.constant 0 : i32
      %dma_start3A_123 = tpu.memref_slice %arg4[%add3A_62, %dma_start3A_122] : memref<32768x1024xf32, #tpu.memory_space<hbm>> -> memref<16x1024xf32, #tpu.memory_space<hbm>>
      %dma_start3A_124 = arith.constant 0 : i32
      %dma_start3A_125 = tpu.memref_slice %arg4[%add3A_62, %dma_start3A_124] : memref<32768x1024xf32, #tpu.memory_space<hbm>> -> memref<16x1024xf32, #tpu.memory_space<hbm>>
      %dma_start3A_126 = arith.constant 0 : i32
      %dma_start3A_127 = arith.constant 0 : i32
      %dma_start3A_128 = tpu.memref_slice %arg6[%run_scoped3A, %dma_start3A_126, %dma_start3A_127] : memref<4x16x1024xf32, #tpu.memory_space<vmem>> -> memref<1x16x1024xf32, #tpu.memory_space<vmem>>
      %dma_start3A_129 = tpu.memref_squeeze %dma_start3A_128 : memref<1x16x1024xf32, #tpu.memory_space<vmem>> -> memref<16x1024xf32, #tpu.memory_space<vmem>>
      tpu.enqueue_dma source(%dma_start3A_129 : memref<16x1024xf32, #tpu.memory_space<vmem>>) target(%dma_start3A_125 : memref<16x1024xf32, #tpu.memory_space<hbm>>) target_semaphore(%run_scoped3A_117 : memref<!tpu.dma_semaphore, #tpu.memory_space<semaphore_mem>>)
      %dma_wait3A_130 = arith.constant 0 : i32
      %dma_wait3A_131 = arith.constant 0 : i32
      %dma_wait3A_132 = tpu.memref_slice %arg6[%run_scoped3A, %dma_wait3A_130, %dma_wait3A_131] : memref<4x16x1024xf32, #tpu.memory_space<vmem>> -> memref<1x16x1024xf32, #tpu.memory_space<vmem>>
      %dma_wait3A_133 = tpu.memref_squeeze %dma_wait3A_132 : memref<1x16x1024xf32, #tpu.memory_space<vmem>> -> memref<16x1024xf32, #tpu.memory_space<vmem>>
      %dma_wait3A_134 = arith.constant 0 : i32
      %dma_wait3A_135 = tpu.memref_slice %arg4[%add3A_62, %dma_wait3A_134] : memref<32768x1024xf32, #tpu.memory_space<hbm>> -> memref<16x1024xf32, #tpu.memory_space<hbm>>
      %dma_wait3A_136 = arith.constant 0 : i32
      %dma_wait3A_137 = tpu.memref_slice %arg4[%add3A_62, %dma_wait3A_136] : memref<32768x1024xf32, #tpu.memory_space<hbm>> -> memref<16x1024xf32, #tpu.memory_space<hbm>>
      %dma_wait3A_138 = arith.constant 0 : i32
      %dma_wait3A_139 = arith.constant 0 : i32
      %dma_wait3A_140 = tpu.memref_slice %arg6[%run_scoped3A, %dma_wait3A_138, %dma_wait3A_139] : memref<4x16x1024xf32, #tpu.memory_space<vmem>> -> memref<1x16x1024xf32, #tpu.memory_space<vmem>>
      %dma_wait3A_141 = tpu.memref_squeeze %dma_wait3A_140 : memref<1x16x1024xf32, #tpu.memory_space<vmem>> -> memref<16x1024xf32, #tpu.memory_space<vmem>>
      tpu.wait_dma2 semaphore(%run_scoped3A_117 : memref<!tpu.dma_semaphore, #tpu.memory_space<semaphore_mem>>) src(%dma_wait3A_141 : memref<16x1024xf32, #tpu.memory_space<vmem>>) dst(%dma_wait3A_137 : memref<16x1024xf32, #tpu.memory_space<hbm>>)
      tpu.yield
    }) : () -> ()
    %dma_wait3A_63 = arith.constant 1 : i32
    %dma_wait3A_64 = arith.constant 0 : i32
    %dma_wait3A_65 = arith.constant 0 : i32
    %dma_wait3A_66 = tpu.memref_slice %arg6[%dma_wait3A_63, %dma_wait3A_64, %dma_wait3A_65] : memref<4x16x1024xf32, #tpu.memory_space<vmem>> -> memref<1x16x1024xf32, #tpu.memory_space<vmem>>
    %dma_wait3A_67 = tpu.memref_squeeze %dma_wait3A_66 : memref<1x16x1024xf32, #tpu.memory_space<vmem>> -> memref<16x1024xf32, #tpu.memory_space<vmem>>
    %dma_wait3A_68 = arith.constant 0 : i32
    %dma_wait3A_69 = arith.constant 0 : i32
    %dma_wait3A_70 = tpu.memref_slice %arg2[%dma_wait3A_68, %dma_wait3A_69] : memref<256x1024xf32, #tpu.memory_space<hbm>> -> memref<16x1024xf32, #tpu.memory_space<hbm>>
    %dma_wait3A_71 = arith.constant 0 : i32
    %dma_wait3A_72 = arith.constant 0 : i32
    %dma_wait3A_73 = tpu.memref_slice %arg6[%dma_wait3A_63, %dma_wait3A_71, %dma_wait3A_72] : memref<4x16x1024xf32, #tpu.memory_space<vmem>> -> memref<1x16x1024xf32, #tpu.memory_space<vmem>>
    %dma_wait3A_74 = tpu.memref_squeeze %dma_wait3A_73 : memref<1x16x1024xf32, #tpu.memory_space<vmem>> -> memref<16x1024xf32, #tpu.memory_space<vmem>>
    %dma_wait3A_75 = arith.constant 0 : i32
    %dma_wait3A_76 = arith.constant 0 : i32
    %dma_wait3A_77 = tpu.memref_slice %arg2[%dma_wait3A_75, %dma_wait3A_76] : memref<256x1024xf32, #tpu.memory_space<hbm>> -> memref<16x1024xf32, #tpu.memory_space<hbm>>
    tpu.wait_dma2 semaphore(%arg8 : memref<!tpu.dma_semaphore, #tpu.memory_space<semaphore_mem>>) src(%dma_wait3A_77 : memref<16x1024xf32, #tpu.memory_space<hbm>>) dst(%dma_wait3A_74 : memref<16x1024xf32, #tpu.memory_space<vmem>>)
    %add3A_78 = arith.constant 976 : i32
    %add3A_79 = arith.addi %mul3A_2, %add3A_78 : i32
    %run_scoped3A_80 = arith.constant 1 : i32
    "tpu.region"() ({
      %run_scoped3A_117 = tpu.sem_alloc : memref<!tpu.dma_semaphore, #tpu.memory_space<semaphore_mem>>
      %dma_start3A_118 = arith.constant 0 : i32
      %dma_start3A_119 = arith.constant 0 : i32
      %dma_start3A_120 = tpu.memref_slice %arg6[%run_scoped3A_80, %dma_start3A_118, %dma_start3A_119] : memref<4x16x1024xf32, #tpu.memory_space<vmem>> -> memref<1x16x1024xf32, #tpu.memory_space<vmem>>
      %dma_start3A_121 = tpu.memref_squeeze %dma_start3A_120 : memref<1x16x1024xf32, #tpu.memory_space<vmem>> -> memref<16x1024xf32, #tpu.memory_space<vmem>>
      %dma_start3A_122 = arith.constant 0 : i32
      %dma_start3A_123 = tpu.memref_slice %arg4[%add3A_79, %dma_start3A_122] : memref<32768x1024xf32, #tpu.memory_space<hbm>> -> memref<16x1024xf32, #tpu.memory_space<hbm>>
      %dma_start3A_124 = arith.constant 0 : i32
      %dma_start3A_125 = tpu.memref_slice %arg4[%add3A_79, %dma_start3A_124] : memref<32768x1024xf32, #tpu.memory_space<hbm>> -> memref<16x1024xf32, #tpu.memory_space<hbm>>
      %dma_start3A_126 = arith.constant 0 : i32
      %dma_start3A_127 = arith.constant 0 : i32
      %dma_start3A_128 = tpu.memref_slice %arg6[%run_scoped3A_80, %dma_start3A_126, %dma_start3A_127] : memref<4x16x1024xf32, #tpu.memory_space<vmem>> -> memref<1x16x1024xf32, #tpu.memory_space<vmem>>
      %dma_start3A_129 = tpu.memref_squeeze %dma_start3A_128 : memref<1x16x1024xf32, #tpu.memory_space<vmem>> -> memref<16x1024xf32, #tpu.memory_space<vmem>>
      tpu.enqueue_dma source(%dma_start3A_129 : memref<16x1024xf32, #tpu.memory_space<vmem>>) target(%dma_start3A_125 : memref<16x1024xf32, #tpu.memory_space<hbm>>) target_semaphore(%run_scoped3A_117 : memref<!tpu.dma_semaphore, #tpu.memory_space<semaphore_mem>>)
      %dma_wait3A_130 = arith.constant 0 : i32
      %dma_wait3A_131 = arith.constant 0 : i32
      %dma_wait3A_132 = tpu.memref_slice %arg6[%run_scoped3A_80, %dma_wait3A_130, %dma_wait3A_131] : memref<4x16x1024xf32, #tpu.memory_space<vmem>> -> memref<1x16x1024xf32, #tpu.memory_space<vmem>>
      %dma_wait3A_133 = tpu.memref_squeeze %dma_wait3A_132 : memref<1x16x1024xf32, #tpu.memory_space<vmem>> -> memref<16x1024xf32, #tpu.memory_space<vmem>>
      %dma_wait3A_134 = arith.constant 0 : i32
      %dma_wait3A_135 = tpu.memref_slice %arg4[%add3A_79, %dma_wait3A_134] : memref<32768x1024xf32, #tpu.memory_space<hbm>> -> memref<16x1024xf32, #tpu.memory_space<hbm>>
      %dma_wait3A_136 = arith.constant 0 : i32
      %dma_wait3A_137 = tpu.memref_slice %arg4[%add3A_79, %dma_wait3A_136] : memref<32768x1024xf32, #tpu.memory_space<hbm>> -> memref<16x1024xf32, #tpu.memory_space<hbm>>
      %dma_wait3A_138 = arith.constant 0 : i32
      %dma_wait3A_139 = arith.constant 0 : i32
      %dma_wait3A_140 = tpu.memref_slice %arg6[%run_scoped3A_80, %dma_wait3A_138, %dma_wait3A_139] : memref<4x16x1024xf32, #tpu.memory_space<vmem>> -> memref<1x16x1024xf32, #tpu.memory_space<vmem>>
      %dma_wait3A_141 = tpu.memref_squeeze %dma_wait3A_140 : memref<1x16x1024xf32, #tpu.memory_space<vmem>> -> memref<16x1024xf32, #tpu.memory_space<vmem>>
      tpu.wait_dma2 semaphore(%run_scoped3A_117 : memref<!tpu.dma_semaphore, #tpu.memory_space<semaphore_mem>>) src(%dma_wait3A_141 : memref<16x1024xf32, #tpu.memory_space<vmem>>) dst(%dma_wait3A_137 : memref<16x1024xf32, #tpu.memory_space<hbm>>)
      tpu.yield
    }) : () -> ()
    %dma_wait3A_81 = arith.constant 2 : i32
    %dma_wait3A_82 = arith.constant 0 : i32
    %dma_wait3A_83 = arith.constant 0 : i32
    %dma_wait3A_84 = tpu.memref_slice %arg6[%dma_wait3A_81, %dma_wait3A_82, %dma_wait3A_83] : memref<4x16x1024xf32, #tpu.memory_space<vmem>> -> memref<1x16x1024xf32, #tpu.memory_space<vmem>>
    %dma_wait3A_85 = tpu.memref_squeeze %dma_wait3A_84 : memref<1x16x1024xf32, #tpu.memory_space<vmem>> -> memref<16x1024xf32, #tpu.memory_space<vmem>>
    %dma_wait3A_86 = arith.constant 0 : i32
    %dma_wait3A_87 = arith.constant 0 : i32
    %dma_wait3A_88 = tpu.memref_slice %arg2[%dma_wait3A_86, %dma_wait3A_87] : memref<256x1024xf32, #tpu.memory_space<hbm>> -> memref<16x1024xf32, #tpu.memory_space<hbm>>
    %dma_wait3A_89 = arith.constant 0 : i32
    %dma_wait3A_90 = arith.constant 0 : i32
    %dma_wait3A_91 = tpu.memref_slice %arg6[%dma_wait3A_81, %dma_wait3A_89, %dma_wait3A_90] : memref<4x16x1024xf32, #tpu.memory_space<vmem>> -> memref<1x16x1024xf32, #tpu.memory_space<vmem>>
    %dma_wait3A_92 = tpu.memref_squeeze %dma_wait3A_91 : memref<1x16x1024xf32, #tpu.memory_space<vmem>> -> memref<16x1024xf32, #tpu.memory_space<vmem>>
    %dma_wait3A_93 = arith.constant 0 : i32
    %dma_wait3A_94 = arith.constant 0 : i32
    %dma_wait3A_95 = tpu.memref_slice %arg2[%dma_wait3A_93, %dma_wait3A_94] : memref<256x1024xf32, #tpu.memory_space<hbm>> -> memref<16x1024xf32, #tpu.memory_space<hbm>>
    tpu.wait_dma2 semaphore(%arg9 : memref<!tpu.dma_semaphore, #tpu.memory_space<semaphore_mem>>) src(%dma_wait3A_95 : memref<16x1024xf32, #tpu.memory_space<hbm>>) dst(%dma_wait3A_92 : memref<16x1024xf32, #tpu.memory_space<vmem>>)
    %add3A_96 = arith.constant 992 : i32
    %add3A_97 = arith.addi %mul3A_2, %add3A_96 : i32
    %run_scoped3A_98 = arith.constant 2 : i32
    "tpu.region"() ({
      %run_scoped3A_117 = tpu.sem_alloc : memref<!tpu.dma_semaphore, #tpu.memory_space<semaphore_mem>>
      %dma_start3A_118 = arith.constant 0 : i32
      %dma_start3A_119 = arith.constant 0 : i32
      %dma_start3A_120 = tpu.memref_slice %arg6[%run_scoped3A_98, %dma_start3A_118, %dma_start3A_119] : memref<4x16x1024xf32, #tpu.memory_space<vmem>> -> memref<1x16x1024xf32, #tpu.memory_space<vmem>>
      %dma_start3A_121 = tpu.memref_squeeze %dma_start3A_120 : memref<1x16x1024xf32, #tpu.memory_space<vmem>> -> memref<16x1024xf32, #tpu.memory_space<vmem>>
      %dma_start3A_122 = arith.constant 0 : i32
      %dma_start3A_123 = tpu.memref_slice %arg4[%add3A_97, %dma_start3A_122] : memref<32768x1024xf32, #tpu.memory_space<hbm>> -> memref<16x1024xf32, #tpu.memory_space<hbm>>
      %dma_start3A_124 = arith.constant 0 : i32
      %dma_start3A_125 = tpu.memref_slice %arg4[%add3A_97, %dma_start3A_124] : memref<32768x1024xf32, #tpu.memory_space<hbm>> -> memref<16x1024xf32, #tpu.memory_space<hbm>>
      %dma_start3A_126 = arith.constant 0 : i32
      %dma_start3A_127 = arith.constant 0 : i32
      %dma_start3A_128 = tpu.memref_slice %arg6[%run_scoped3A_98, %dma_start3A_126, %dma_start3A_127] : memref<4x16x1024xf32, #tpu.memory_space<vmem>> -> memref<1x16x1024xf32, #tpu.memory_space<vmem>>
      %dma_start3A_129 = tpu.memref_squeeze %dma_start3A_128 : memref<1x16x1024xf32, #tpu.memory_space<vmem>> -> memref<16x1024xf32, #tpu.memory_space<vmem>>
      tpu.enqueue_dma source(%dma_start3A_129 : memref<16x1024xf32, #tpu.memory_space<vmem>>) target(%dma_start3A_125 : memref<16x1024xf32, #tpu.memory_space<hbm>>) target_semaphore(%run_scoped3A_117 : memref<!tpu.dma_semaphore, #tpu.memory_space<semaphore_mem>>)
      %dma_wait3A_130 = arith.constant 0 : i32
      %dma_wait3A_131 = arith.constant 0 : i32
      %dma_wait3A_132 = tpu.memref_slice %arg6[%run_scoped3A_98, %dma_wait3A_130, %dma_wait3A_131] : memref<4x16x1024xf32, #tpu.memory_space<vmem>> -> memref<1x16x1024xf32, #tpu.memory_space<vmem>>
      %dma_wait3A_133 = tpu.memref_squeeze %dma_wait3A_132 : memref<1x16x1024xf32, #tpu.memory_space<vmem>> -> memref<16x1024xf32, #tpu.memory_space<vmem>>
      %dma_wait3A_134 = arith.constant 0 : i32
      %dma_wait3A_135 = tpu.memref_slice %arg4[%add3A_97, %dma_wait3A_134] : memref<32768x1024xf32, #tpu.memory_space<hbm>> -> memref<16x1024xf32, #tpu.memory_space<hbm>>
      %dma_wait3A_136 = arith.constant 0 : i32
      %dma_wait3A_137 = tpu.memref_slice %arg4[%add3A_97, %dma_wait3A_136] : memref<32768x1024xf32, #tpu.memory_space<hbm>> -> memref<16x1024xf32, #tpu.memory_space<hbm>>
      %dma_wait3A_138 = arith.constant 0 : i32
      %dma_wait3A_139 = arith.constant 0 : i32
      %dma_wait3A_140 = tpu.memref_slice %arg6[%run_scoped3A_98, %dma_wait3A_138, %dma_wait3A_139] : memref<4x16x1024xf32, #tpu.memory_space<vmem>> -> memref<1x16x1024xf32, #tpu.memory_space<vmem>>
      %dma_wait3A_141 = tpu.memref_squeeze %dma_wait3A_140 : memref<1x16x1024xf32, #tpu.memory_space<vmem>> -> memref<16x1024xf32, #tpu.memory_space<vmem>>
      tpu.wait_dma2 semaphore(%run_scoped3A_117 : memref<!tpu.dma_semaphore, #tpu.memory_space<semaphore_mem>>) src(%dma_wait3A_141 : memref<16x1024xf32, #tpu.memory_space<vmem>>) dst(%dma_wait3A_137 : memref<16x1024xf32, #tpu.memory_space<hbm>>)
      tpu.yield
    }) : () -> ()
    %dma_wait3A_99 = arith.constant 3 : i32
    %dma_wait3A_100 = arith.constant 0 : i32
    %dma_wait3A_101 = arith.constant 0 : i32
    %dma_wait3A_102 = tpu.memref_slice %arg6[%dma_wait3A_99, %dma_wait3A_100, %dma_wait3A_101] : memref<4x16x1024xf32, #tpu.memory_space<vmem>> -> memref<1x16x1024xf32, #tpu.memory_space<vmem>>
    %dma_wait3A_103 = tpu.memref_squeeze %dma_wait3A_102 : memref<1x16x1024xf32, #tpu.memory_space<vmem>> -> memref<16x1024xf32, #tpu.memory_space<vmem>>
    %dma_wait3A_104 = arith.constant 0 : i32
    %dma_wait3A_105 = arith.constant 0 : i32
    %dma_wait3A_106 = tpu.memref_slice %arg2[%dma_wait3A_104, %dma_wait3A_105] : memref<256x1024xf32, #tpu.memory_space<hbm>> -> memref<16x1024xf32, #tpu.memory_space<hbm>>
    %dma_wait3A_107 = arith.constant 0 : i32
    %dma_wait3A_108 = arith.constant 0 : i32
    %dma_wait3A_109 = tpu.memref_slice %arg6[%dma_wait3A_99, %dma_wait3A_107, %dma_wait3A_108] : memref<4x16x1024xf32, #tpu.memory_space<vmem>> -> memref<1x16x1024xf32, #tpu.memory_space<vmem>>
    %dma_wait3A_110 = tpu.memref_squeeze %dma_wait3A_109 : memref<1x16x1024xf32, #tpu.memory_space<vmem>> -> memref<16x1024xf32, #tpu.memory_space<vmem>>
    %dma_wait3A_111 = arith.constant 0 : i32
    %dma_wait3A_112 = arith.constant 0 : i32
    %dma_wait3A_113 = tpu.memref_slice %arg2[%dma_wait3A_111, %dma_wait3A_112] : memref<256x1024xf32, #tpu.memory_space<hbm>> -> memref<16x1024xf32, #tpu.memory_space<hbm>>
    tpu.wait_dma2 semaphore(%arg10 : memref<!tpu.dma_semaphore, #tpu.memory_space<semaphore_mem>>) src(%dma_wait3A_113 : memref<16x1024xf32, #tpu.memory_space<hbm>>) dst(%dma_wait3A_110 : memref<16x1024xf32, #tpu.memory_space<vmem>>)
    %add3A_114 = arith.constant 1008 : i32
    %add3A_115 = arith.addi %mul3A_2, %add3A_114 : i32
    %run_scoped3A_116 = arith.constant 3 : i32
    "tpu.region"() ({
      %run_scoped3A_117 = tpu.sem_alloc : memref<!tpu.dma_semaphore, #tpu.memory_space<semaphore_mem>>
      %dma_start3A_118 = arith.constant 0 : i32
      %dma_start3A_119 = arith.constant 0 : i32
      %dma_start3A_120 = tpu.memref_slice %arg6[%run_scoped3A_116, %dma_start3A_118, %dma_start3A_119] : memref<4x16x1024xf32, #tpu.memory_space<vmem>> -> memref<1x16x1024xf32, #tpu.memory_space<vmem>>
      %dma_start3A_121 = tpu.memref_squeeze %dma_start3A_120 : memref<1x16x1024xf32, #tpu.memory_space<vmem>> -> memref<16x1024xf32, #tpu.memory_space<vmem>>
      %dma_start3A_122 = arith.constant 0 : i32
      %dma_start3A_123 = tpu.memref_slice %arg4[%add3A_115, %dma_start3A_122] : memref<32768x1024xf32, #tpu.memory_space<hbm>> -> memref<16x1024xf32, #tpu.memory_space<hbm>>
      %dma_start3A_124 = arith.constant 0 : i32
      %dma_start3A_125 = tpu.memref_slice %arg4[%add3A_115, %dma_start3A_124] : memref<32768x1024xf32, #tpu.memory_space<hbm>> -> memref<16x1024xf32, #tpu.memory_space<hbm>>
      %dma_start3A_126 = arith.constant 0 : i32
      %dma_start3A_127 = arith.constant 0 : i32
      %dma_start3A_128 = tpu.memref_slice %arg6[%run_scoped3A_116, %dma_start3A_126, %dma_start3A_127] : memref<4x16x1024xf32, #tpu.memory_space<vmem>> -> memref<1x16x1024xf32, #tpu.memory_space<vmem>>
      %dma_start3A_129 = tpu.memref_squeeze %dma_start3A_128 : memref<1x16x1024xf32, #tpu.memory_space<vmem>> -> memref<16x1024xf32, #tpu.memory_space<vmem>>
      tpu.enqueue_dma source(%dma_start3A_129 : memref<16x1024xf32, #tpu.memory_space<vmem>>) target(%dma_start3A_125 : memref<16x1024xf32, #tpu.memory_space<hbm>>) target_semaphore(%run_scoped3A_117 : memref<!tpu.dma_semaphore, #tpu.memory_space<semaphore_mem>>)
      %dma_wait3A_130 = arith.constant 0 : i32
      %dma_wait3A_131 = arith.constant 0 : i32
      %dma_wait3A_132 = tpu.memref_slice %arg6[%run_scoped3A_116, %dma_wait3A_130, %dma_wait3A_131] : memref<4x16x1024xf32, #tpu.memory_space<vmem>> -> memref<1x16x1024xf32, #tpu.memory_space<vmem>>
      %dma_wait3A_133 = tpu.memref_squeeze %dma_wait3A_132 : memref<1x16x1024xf32, #tpu.memory_space<vmem>> -> memref<16x1024xf32, #tpu.memory_space<vmem>>
      %dma_wait3A_134 = arith.constant 0 : i32
      %dma_wait3A_135 = tpu.memref_slice %arg4[%add3A_115, %dma_wait3A_134] : memref<32768x1024xf32, #tpu.memory_space<hbm>> -> memref<16x1024xf32, #tpu.memory_space<hbm>>
      %dma_wait3A_136 = arith.constant 0 : i32
      %dma_wait3A_137 = tpu.memref_slice %arg4[%add3A_115, %dma_wait3A_136] : memref<32768x1024xf32, #tpu.memory_space<hbm>> -> memref<16x1024xf32, #tpu.memory_space<hbm>>
      %dma_wait3A_138 = arith.constant 0 : i32
      %dma_wait3A_139 = arith.constant 0 : i32
      %dma_wait3A_140 = tpu.memref_slice %arg6[%run_scoped3A_116, %dma_wait3A_138, %dma_wait3A_139] : memref<4x16x1024xf32, #tpu.memory_space<vmem>> -> memref<1x16x1024xf32, #tpu.memory_space<vmem>>
      %dma_wait3A_141 = tpu.memref_squeeze %dma_wait3A_140 : memref<1x16x1024xf32, #tpu.memory_space<vmem>> -> memref<16x1024xf32, #tpu.memory_space<vmem>>
      tpu.wait_dma2 semaphore(%run_scoped3A_117 : memref<!tpu.dma_semaphore, #tpu.memory_space<semaphore_mem>>) src(%dma_wait3A_141 : memref<16x1024xf32, #tpu.memory_space<vmem>>) dst(%dma_wait3A_137 : memref<16x1024xf32, #tpu.memory_space<hbm>>)
      tpu.yield
    }) : () -> ()
    return
  }
}

</mosaic_0001>

<sc_bundles>
// kernel: kernel.3.cloned.1.call-start
scs
__scs_entry_jumppad:
0x0: {  	(pc) =	sbr.rel $0x88, $3  }
0x1: {  	(tag) =	ssettag $0x0;
	lr =	simm.s32 $0x1  }
0x2: {  	[smem:$0x3F9F] =	sst lr;
	_ =	strace $0xD0000000  }
0x3: {  	_ = 	snop  }
0x4: {  	_ = 	snop  }
0x5: {  	_ = 	snop  }
0x6: {  	_ = 	snop  }
0x7: {  	_ = 	snop  }
__scs_overlays_trampoline_lowered:
0x8: {  	[smem:$0x3FAE] =	sst s0  }
0x9: {  	[smem:$0x3FAF] =	sst s1  }
0xa: {  	[smem:$0x3FB0] =	sst s2  }
0xb: {  	[smem:$0x3FB1] =	sst s3  }
0xc: {  	[smem:$0x3FB2] =	sst s4  }
0xd: {  	[smem:$0x3FB3] =	sst s5  }
0xe: {  	[smem:$0x3FB4] =	sst s6  }
0xf: {  	[smem:$0x3FB5] =	sst s7  }
0x10: {  	[smem:$0x3FB6] =	sst s8  }
0x11: {  	[smem:$0x3FB7] =	sst s9;
	s0 =	simm.s32 @!p0 $0x0  }
0x12: {  	s1 =	sld [smem:$0x3F9D];
	s0 =	simm.s32 @p0 $0x1  }
0x13: {  	[smem:$0x3FB8] =	sst s0;
	s0 =	simm.s32 @!p1 $0x0  }
0x14: {  	s2 =	sld [smem:$0x3F9C];
	s0 =	simm.s32 @p1 $0x1  }
0x15: {  	[smem:$0x3FB9] =	sst s0;
	s0 =	simm.s32 @!p2 $0x0  }
0x16: {  	s3 =	sld [smem:$0x3FDB];
	s0 =	simm.s32 @p2 $0x1  }
0x17: {  	s4 =	simm.s32 $0x1BF5;
	[smem:$0x3FBB] =	sst s0  }
0x18: {  	s0 =	sld [smem:$0x3F9E];
	_ =	swait.ge [sflag:s4], $0x0  }
0x19: {  	s7 =	sld [smem:$0x3F9F]  }
0x1a: {  	s8 =	sadd.s32 $0xFFFFE003, lr  }
0x1b: {  	s9 =	sadd.s32 $0xFFFFFEF7, lr;
	s5 =	simm.s32 $0xFFFFFFFF;
	p2 =	slt.u32 s8, $0xFFFFF086  }
0x1c: {  	p1 =	slt.u32 s9, $0xF7A;
	s5 =	simm.s32 @!p2 $0x0  }
0x1d: {  	s5 =	simm.s32 @p1 $0x1;
	p0 =	seq.s32 s7, s2  }
0x1e: {  	s7 =	smul.u32 @!p0 $0xF7A, s2;
	p2 =	seq.s32 @!p0 s5, $0x0  }
0x1f: {  	s9 =	smul.u32 $0xF7A, s1;
	s8 =	simm.s32 @!p0 $0x1BF5;
	p2 =	por !p2, p0  }
0x20: {  	[sflag:s8] =	ssyncset.s32 @!p0 $0xFFFFF086;
	s6 =	sadd.s32 @!p0 s3, s7;
	s7 =	simm.s32 @!p0 $0x108  }
0x21: {  	s3 =	sadd.s32 s3, s9;
	s6 =	sadd.s32 @!p0 $0x88, s6;
	s7 =	simm.s32 @p2 $0x1082  }
0x22: {  	[simem:s7], [sflag:s8] =	dma.local @!p0 [hbm:s6], $0xF7A  }
0x23: {  	s9 =	sor.u32 $0xD0000000, s2;
	s6 =	simm.s32 $0x108;
	_ =	swait.ge @!p0 [sflag:s8], $0x0  }
0x24: {  	s3 =	sadd.s32 $0x88, s3;
	s6 =	simm.s32 @!p1 $0x1082;
	[sflag:s4] =	ssyncset.s32 $0xFFFFF086  }
0x25: {  	[simem:s6], [sflag:s4] =	dma.local [hbm:s3], $0xF7A  }
0x26: {  	[smem:$0x3F9F] =	sst s1;
	(tag) =	ssettag s2;
	_ =	strace s9  }
0x27: {  	s1 =	sld [smem:$0x3FAF]  }
0x28: {  	s2 =	sld [smem:$0x3FB0]  }
0x29: {  	s4 =	sld [smem:$0x3FB2]  }
0x2a: {  	p0 =	seq.s32 s5, $0x0;
	s5 =	sld [smem:$0x3FB3]  }
0x2b: {  	s6 =	sld [smem:$0x3FB4]  }
0x2c: {  	s7 =	sld [smem:$0x3FB5]  }
0x2d: {  	s3 =	simm.s32 $0x108;
	s8 =	sld [smem:$0x3FB6]  }
0x2e: {  	s3 =	simm.s32 @!p0 $0x1082;
	s9 =	sld [smem:$0x3FB7]  }
0x2f: {  	lr =	sadd.s32 s0, s3;
	s0 =	sld [smem:$0x3FAE]  }
0x30: {  	s3 =	sld [smem:$0x3FB1]  }
0x31: {  	[smem:$0x3FBA] =	sst s10  }
0x32: {  	s10 =	sld [smem:$0x3FB8];
	_ =	sdelay $0x3  }
0x33: {  	p0 =	seq.s32 s10, $0x1;
	s10 =	sld [smem:$0x3FBA];
	_ =	sdelay $0x3  }
0x34: {  	[smem:$0x3FBA] =	sst s10  }
0x35: {  	s10 =	sld [smem:$0x3FB9];
	_ =	sdelay $0x3  }
0x36: {  	p1 =	seq.s32 s10, $0x1;
	s10 =	sld [smem:$0x3FBA];
	_ =	sdelay $0x3  }
0x37: {  	[smem:$0x3FBA] =	sst s10  }
0x38: {  	s10 =	sld [smem:$0x3FBB]  }
0x39: {  	_ = 	snop;
	(pc) =	sbr.ind lr, $3  }
0x3a: {  	_ = 	snop  }
0x3b: {  	_ = 	snop  }
0x3c: {  	p2 =	seq.s32 s10, $0x1;
	s10 =	sld [smem:$0x3FBA]  }
0x3d: {  	_ =	shalt  }
0x3e: {  	_ =	shalt  }
0x3f: {  	_ =	shalt  }
0x40: {  	_ =	shalt  }
0x41: {  	_ =	shalt  }
0x42: {  	_ =	shalt  }
0x43: {  	_ =	shalt  }
0x44: {  	_ =	shalt  }
0x45: {  	_ =	shalt  }
0x46: {  	_ =	shalt  }
0x47: {  	_ =	shalt  }
0x48: {  	_ =	shalt  }
0x49: {  	_ =	shalt  }
0x4a: {  	_ =	shalt  }
0x4b: {  	_ =	shalt  }
0x4c: {  	_ =	shalt  }
0x4d: {  	_ =	shalt  }
0x4e: {  	_ =	shalt  }
0x4f: {  	_ =	shalt  }
0x50: {  	_ =	shalt  }
0x51: {  	_ =	shalt  }
0x52: {  	_ =	shalt  }
0x53: {  	_ =	shalt  }
0x54: {  	_ =	shalt  }
0x55: {  	_ =	shalt  }
0x56: {  	_ =	shalt  }
0x57: {  	_ =	shalt  }
0x58: {  	_ =	shalt  }
0x59: {  	_ =	shalt  }
0x5a: {  	_ =	shalt  }
0x5b: {  	_ =	shalt  }
0x5c: {  	_ =	shalt  }
0x5d: {  	_ =	shalt  }
0x5e: {  	_ =	shalt  }
0x5f: {  	_ =	shalt  }
0x60: {  	_ =	shalt  }
0x61: {  	_ =	shalt  }
0x62: {  	_ =	shalt  }
0x63: {  	_ =	shalt  }
0x64: {  	_ =	shalt  }
0x65: {  	_ =	shalt  }
0x66: {  	_ =	shalt  }
0x67: {  	_ =	shalt  }
0x68: {  	_ =	shalt  }
0x69: {  	_ =	shalt  }
0x6a: {  	_ =	shalt  }
0x6b: {  	_ =	shalt  }
0x6c: {  	_ =	shalt  }
0x6d: {  	_ =	shalt  }
0x6e: {  	_ =	shalt  }
0x6f: {  	_ =	shalt  }
0x70: {  	_ =	shalt  }
0x71: {  	_ =	shalt  }
0x72: {  	_ =	shalt  }
0x73: {  	_ =	shalt  }
0x74: {  	_ =	shalt  }
0x75: {  	_ =	shalt  }
0x76: {  	_ =	shalt  }
0x77: {  	_ =	shalt  }
0x78: {  	_ =	shalt  }
0x79: {  	_ =	shalt  }
0x7a: {  	_ =	shalt  }
0x7b: {  	_ =	shalt  }
0x7c: {  	_ =	shalt  }
0x7d: {  	_ =	shalt  }
0x7e: {  	_ =	shalt  }
0x7f: {  	_ =	shalt  }
0x80: {  	_ =	shalt  }
0x81: {  	_ =	shalt  }
0x82: {  	_ =	shalt  }
0x83: {  	_ =	shalt  }
0x84: {  	_ =	shalt  }
0x85: {  	_ =	shalt  }
0x86: {  	_ =	shalt  }
0x87: {  	_ =	shalt  }
.Lfunc_end0:
.L_simem_size_0:
called_computation_lowered:
.L_overlay_start_0:
0x88: {  	s2 =	sld [smem:$0x3FD9]  }
0x89: {  	s3 =	sld [smem:$0x3FFE];
	_ =	sdelay $0x1  }
0x8a: {  	s1 =	srdreg.scid  }
0x8b: {  	s0 =	sand.u32 $0x1, s1  }
0x8c: {  	s17 =	sshll.u32 s0, $0xA;
	s2 =	sadd.s32 s3, s2  }
0x8d: {  	s2 =	sadd.s32 s2, s17  }
0x8e: {  	[smem:$0x3FC6] =	sst s2  }
0x8f: {  	_ = 	snop  }
0x90: {  	s2 =	sld [smem:$0x3FC8]  }
0x91: {  	s18 =	sld [smem:$0x3FD0];
	(tm) =	ssettm $0x1  }
0x92: {  	s4 =	sld [smem:$0x3FFB];
	_ =	sdelay $0x3  }
0x93: {  	_ =	strace s4  }
0x94: {  	s4 =	sld [smem:$0x3FFC];
	_ =	sdelay $0x3  }
0x95: {  	_ =	strace s4  }
0x96: {  	s4 =	sld [smem:$0x3FFD];
	_ =	sdelay $0x3  }
0x97: {  	_ =	strace s4  }
0x98: {  	_ =	strace $0x8FFFFFFF  }
0x99: {  	s19 =	sld [smem:$0x3FDB];
	_ =	sdelay $0x1  }
0x9a: {  	s5 =	simm.s32 $_scs_section_size  }
0x9b: {  	s6 =	simm.s32 $_size__tile_overlayer_lowered;
	s7 =	simm.s32 $_tile_overlayer_lowered  }
0x9c: {  	s22 =	simm.s32 $0x1BFF;
	s21 =	sshll.u32 s7, $0x1;
	s4 =	sadd.s32 s5, s19  }
0x9d: {  	s8 =	simm.s32 $0x0;
	s20 =	sshll.u32 s6, $0x1;
	s6 =	sadd.s32 s21, s4  }
0x9e: {  	[timem:s8], [sflag:s22] =	dma.local [hbm:s6], s20  }
0x9f: {  	_ =	swait.ge [sflag:s22], s20  }
0xa0: {  	s5 =	ssub.s32 $0x0, s20;
	[sflag:s22] =	ssyncset.done $0x0  }
0xa1: {  	[sflag:s22] =	ssyncadd.s32 s5;
	_ =	sdelay $0x1  }
0xa2: {  	s23 =	simm.s32 $0x1B8B  }
0xa3: {  	_ =	swait.ge [sflag:s23], $0x1  }
0xa4: {  	[sflag:s23] =	ssyncset.done $0x0  }
0xa5: {  	s25 =	simm.s32 $0x1B8E;
	s24 =	sld [smem:$0x3FFE];
	[sflag:s23] =	ssyncadd.s32 $0xFFFFFFFF  }
0xa6: {  	s26 =	simm.s32 $execute0_lowered;
	[smem:$0x3FD2] =	sst s25  }
0xa7: {  	s6 =	sshll.u32 s26, $0x1;
	_ =	strace $0x80000046;
	[dreg:$0x1] =	wrdreg $0xFFFFFFFF  }
0xa8: {  	s28 =	simm.s32 $_size_execute0_lowered;
	s4 =	sadd.s32 s4, s6;
	[dreg:$0x0] =	wrdreg $0x0  }
0xa9: {  	s6 =	sshll.u32 s28, $0x1;
	[dreg:$0x2] =	wrdreg s4  }
0xaa: {  	[dreg:$0x3] =	wrdreg s6  }
0xab: {  	[dreg:$0x4] =	wrdreg $0xC0  }
0xac: {  	_ =	task [dreg:s8], $0x5FFFF  }
0xad: {  	[dreg:$0x1] =	wrdreg $0xFFFFFFFF  }
0xae: {  	[dreg:$0x0] =	wrdreg $0x60  }
0xaf: {  	[dreg:$0x2] =	wrdreg s2  }
0xb0: {  	[dreg:$0x3] =	wrdreg s24  }
0xb1: {  	[dreg:$0x4] =	wrdreg s18  }
0xb2: {  	[dreg:$0x5] =	wrdreg $0x9  }
0xb3: {  	_ =	task.clear_ibuf [dreg:s8], $0x6FFFF;
	_ =	strace $0x90000046  }
0xb4: {  	s29 =	simm.s32 $0x9;
	_ =	strace $0x80000048  }
0xb5: {  	_ =	swait.ge [sflag:s29], $0x1  }
0xb6: {  	[sflag:s29] =	ssyncadd.s32 $0xFFFFFFFF  }
0xb7: {  	_ =	strace $0x90000048  }
0xb8: {  	_ =	sfence  }
0xb9: {  	s30 =	sld [smem:$0x0];
	_ =	sdelay $0x2  }
0xba: {  	s31 =	sshll.u32 s1, $0xD;
	s1 =	sshrl.u32 s1, $0x2  }
0xbb: {  	s3 =	sand.u32 $0x4000, s31;
	s1 =	sadd.s32 s1, s30  }
0xbc: {  	s0 =	sor.u32 s3, s0;
	s1 =	sshll.u32 s1, $0x11  }
0xbd: {  	s0 =	sor.u32 s1, s0  }
0xbe: {  	s0 =	sadd.s32 $0x8F2B, s0  }
0xbf: {  	[sflag:s0] =	ssyncadd.remote.s32 $0x1  }
0xc0: {  	_ =	sfence.sel $0xFFFF  }
0xc1: {  	[dreg:$0x0] =	wrdreg $0xFFFFFFFF;
	(pc) =	sbr.abs _section_cstart, $3  }
0xc2: {  	[dreg:$0x1] =	wrdreg $0xFFFFFFFF  }
0xc3: {  	_ =	task.clear_ibuf [dreg:s8], $0x2FFFF;
	_ =	strace $0x9FFFFFFF  }
0xc4: {  	(tm) =	ssettm $0x7FFFFFFF  }
0xc5: {  	_ =	shalt  }
tec
execute0_lowered:
.L_overlay_start_1:
0x0: {  	(tag) =	ssettag $0x1  }
0x1: {  	s2 =	rddreg [dreg:$0x0]  }
0x2: {  	s0 =	rddreg [dreg:$0x1];
	s1 =	srdreg.scid  }
0x3: {  	s4 =	rddreg [dreg:$0x2];
	s9 =	stileid.u32;
	s3 =	simm.s32 $0x0  }
0x4: {  	s13 =	simm.s32 $0x5;
	s28 =	simm.s32 $0xC00;
	s31 =	simm.s32 $0x1400  }
0x5: {  	s11 =	simm.s32 $0x3400;
	s15 =	simm.s32 $0x3C00;
	s16 =	simm.s32 $0x4C00  }
0x6: {  	s17 =	simm.s32 $0x5400;
	s18 =	simm.s32 $0x5C00;
	s19 =	simm.s32 $0x6400  }
0x7: {  	s14 =	simm.s32 $0x7C00;
	s29 =	simm.s32 $0x8C00;
	s30 =	simm.s32 $0x9400  }
0x8: {  	s12 =	simm.s32 $0xC400;
	s1 =	sand.u32 $0x1, s1;
	s6 =	sshll.u32 s9, $0xA  }
0x9: {  	[smem:$0x7FF] =	sst s3;
	s24 =	sshll.u32 s9, $0x11;
	s9 =	simm.s32 $0x2400  }
0xa: {  	s5 =	sshll.u32 s1, $0xE;
	s20 =	ssub.s32 $0x2, s1;
	_ =	strace $0x80000047  }
0xb: {  	s1 =	sshll.u32 s1, $0x15;
	s6 =	sor.u32 s6, s5;
	s8 =	sshrl.u32 s20, $0x1  }
0xc: {  	s5 =	sadd.s32 $0x100, s2;
	s1 =	sadd.s32 s1, s4;
	s7 =	sshrl.u32 s6, $0x3  }
0xd: {  	s8 =	ssub.s32 s20, s8;
	s21 =	sshll.u32 s6, $0x7;
	s6 =	sadd.s32 $0x200, s2  }
0xe: {  	s26 =	sadd.s32 s24, s1;
	s1 =	simm.s32 $0x4400;
	s20 =	simm.s32 $0x6C00  }
0xf: {  	s24 =	simm.s32 $0x2;
	s0 =	sadd.s32 s7, s0;
	s7 =	sadd.s32 $0x300, s2  }
0x10: {  	s25 =	smax.u32 s8, $0x1;
	[dreg:$0x4] =	wrdreg s26;
	s0 =	sadd.s32 $0x400, s0  }
0x11: {  	s8 =	simm.s32 $0x1C00;
	[dreg:$0x5] =	wrdreg s0;
	s0 =	sadd.s32 s21, s4  }
0x12: {  	s26 =	simm.s32 $0x4;
	[dreg:$0xa] =	wrdreg s25;
	s10 =	sadd.s32 $0x1E000, s0  }
0x13: {  	s25 =	simm.s32 $0x3;
	s22 =	sadd.s32 $0x1E800, s0;
	[dreg:$0x6] =	wrdreg s10  }
0x14: {  	s21 =	simm.s32 $0x7400;
	s23 =	sadd.s32 $0x1F000, s0;
	[dreg:$0x7] =	wrdreg s22  }
0x15: {  	v2 =	vlaneseq.u32;
	s4 =	simm.s32 $0x8400;
	s0 =	sadd.s32 $0x1F800, s0;
	[dreg:$0x8] =	wrdreg s23  }
0x16: {  	vm0 =	vmmov $0xffff;
	v1 =	vshrl.u32 v2, $0x3;
	[dreg:$0x9] =	wrdreg s0;
	s22 =	simm.s32 $0x400;
	s0 =	simm.s32 $0x0  }
0x17: {  	v0 =	vand.u32 $0x7, v2;
	v2 =	vor.u32 $0x8, v2;
	v1 =	vmul.u32 $0x8, v1;
	s10 =	simm.s32 $0x2C00;
	s23 =	simm.s32 $0x1;
	[dreg:$0xb] =	wrdreg s0  }
.LBB2_1:
0x18: {  	s0 =	rddreg [dreg:$0x5]  }
0x19: {  	[tilespmem:s3], [sflag:$0x5] =	stream.linear.gather [hbm4b:s0+s3], $0x400, $0x38;
	[tilespmem:$0x10400] =	vst v63  }
0x1a: {  	_ =	swait.ge [sflag:s13], $0x400  }
0x1b: {  	[sflag:s13] =	ssyncset.done $0x0  }
0x1c: {  	[sflag:s13] =	ssyncadd.s32 $0xFFFFFC00  }
0x1d: {  	v3 =	vld [tilespmem:$0x0];
	_ =	sdelay $0x4  }
0x1e: {  	v4 =	vshll.u32 v3, $0x3  }
0x1f: {  	v3 =	vand.u32 $0x7, v3;
	v4 =	vand.u32 $0xFFFFFFC0, v4  }
0x20: {  	v3 =	vor.u32 v3, v4  }
0x21: {  	v4 =	vperm.xlane v3, v0;
	_ =	sdelay $0x1  }
0x22: {  	v4 =	vadd.s32 v1, v4;
	_ =	sdelay $0x4  }
0x23: {  	[tilespmem:s22], [sflag:$0x1] =	stream.indirect_vreg.gather [hbm4b:s2+s3], $0x80, v4, vm0, $0xb8;
	[tilespmem:$0x10400] =	vst v63  }
0x24: {  	v3 =	vperm.xlane v3, v2  }
0x25: {  	[tilespmem:s28], [sflag:$0x1] =	stream.indirect_vreg.gather [hbm4b:s5+s3], $0x80, v4, vm0, $0xb8;
	[tilespmem:$0x10400] =	vst v63  }
0x26: {  	v3 =	vadd.s32 v1, v3  }
0x27: {  	[tilespmem:s31], [sflag:$0x1] =	stream.indirect_vreg.gather [hbm4b:s6+s3], $0x80, v4, vm0, $0xb8;
	[tilespmem:$0x10400] =	vst v63  }
0x28: {  	_ = 	snop  }
0x29: {  	[tilespmem:s8], [sflag:$0x1] =	stream.indirect_vreg.gather [hbm4b:s7+s3], $0x80, v4, vm0, $0xb8;
	[tilespmem:$0x10400] =	vst v63  }
0x2a: {  	_ = 	snop  }
0x2b: {  	[tilespmem:s9], [sflag:$0x1] =	stream.indirect_vreg.gather [hbm4b:s2+s3], $0x80, v3, vm0, $0xb8;
	[tilespmem:$0x10400] =	vst v63  }
0x2c: {  	_ = 	snop  }
0x2d: {  	[tilespmem:s10], [sflag:$0x1] =	stream.indirect_vreg.gather [hbm4b:s5+s3], $0x80, v3, vm0, $0xb8;
	[tilespmem:$0x10400] =	vst v63  }
0x2e: {  	_ = 	snop  }
0x2f: {  	[tilespmem:s11], [sflag:$0x1] =	stream.indirect_vreg.gather [hbm4b:s6+s3], $0x80, v3, vm0, $0xb8;
	[tilespmem:$0x10400] =	vst v63  }
0x30: {  	_ = 	snop  }
0x31: {  	[tilespmem:s15], [sflag:$0x1] =	stream.indirect_vreg.gather [hbm4b:s7+s3], $0x80, v3, vm0, $0xb8;
	[tilespmem:$0x10400] =	vst v63  }
0x32: {  	v3 =	vld [tilespmem:$0x10];
	_ =	sdelay $0x4  }
0x33: {  	v61 =	vshll.u32 v3, $0x3  }
0x34: {  	v3 =	vand.u32 $0x7, v3;
	v4 =	vand.u32 $0xFFFFFFC0, v61  }
0x35: {  	v3 =	vor.u32 v3, v4  }
0x36: {  	v4 =	vperm.xlane v3, v0;
	_ =	sdelay $0x1  }
0x37: {  	v4 =	vadd.s32 v1, v4;
	_ =	sdelay $0x4  }
0x38: {  	[tilespmem:s1], [sflag:$0x2] =	stream.indirect_vreg.gather [hbm4b:s2+s3], $0x80, v4, vm0, $0xb8;
	[tilespmem:$0x10400] =	vst v63  }
0x39: {  	v3 =	vperm.xlane v3, v2  }
0x3a: {  	[tilespmem:s16], [sflag:$0x2] =	stream.indirect_vreg.gather [hbm4b:s5+s3], $0x80, v4, vm0, $0xb8;
	[tilespmem:$0x10400] =	vst v63  }
0x3b: {  	v3 =	vadd.s32 v1, v3  }
0x3c: {  	[tilespmem:s17], [sflag:$0x2] =	stream.indirect_vreg.gather [hbm4b:s6+s3], $0x80, v4, vm0, $0xb8;
	[tilespmem:$0x10400] =	vst v63  }
0x3d: {  	_ = 	snop  }
0x3e: {  	[tilespmem:s18], [sflag:$0x2] =	stream.indirect_vreg.gather [hbm4b:s7+s3], $0x80, v4, vm0, $0xb8;
	[tilespmem:$0x10400] =	vst v63  }
0x3f: {  	_ = 	snop  }
0x40: {  	[tilespmem:s19], [sflag:$0x2] =	stream.indirect_vreg.gather [hbm4b:s2+s3], $0x80, v3, vm0, $0xb8;
	[tilespmem:$0x10400] =	vst v63  }
0x41: {  	_ = 	snop  }
0x42: {  	[tilespmem:s20], [sflag:$0x2] =	stream.indirect_vreg.gather [hbm4b:s5+s3], $0x80, v3, vm0, $0xb8;
	[tilespmem:$0x10400] =	vst v63  }
0x43: {  	_ = 	snop  }
0x44: {  	[tilespmem:s21], [sflag:$0x2] =	stream.indirect_vreg.gather [hbm4b:s6+s3], $0x80, v3, vm0, $0xb8;
	[tilespmem:$0x10400] =	vst v63  }
0x45: {  	_ = 	snop  }
0x46: {  	[tilespmem:s14], [sflag:$0x2] =	stream.indirect_vreg.gather [hbm4b:s7+s3], $0x80, v3, vm0, $0xb8;
	[tilespmem:$0x10400] =	vst v63  }
0x47: {  	v3 =	vld [tilespmem:$0x20];
	_ =	sdelay $0x4  }
0x48: {  	v62 =	vshll.u32 v3, $0x3  }
0x49: {  	v3 =	vand.u32 $0x7, v3;
	v4 =	vand.u32 $0xFFFFFFC0, v62  }
0x4a: {  	v3 =	vor.u32 v3, v4  }
0x4b: {  	v4 =	vperm.xlane v3, v0;
	_ =	sdelay $0x1  }
0x4c: {  	v4 =	vadd.s32 v1, v4;
	_ =	sdelay $0x4  }
0x4d: {  	[tilespmem:s4], [sflag:$0x3] =	stream.indirect_vreg.gather [hbm4b:s2+s3], $0x80, v4, vm0, $0xb8;
	[tilespmem:$0x10400] =	vst v63  }
0x4e: {  	v3 =	vperm.xlane v3, v2  }
0x4f: {  	[tilespmem:s29], [sflag:$0x3] =	stream.indirect_vreg.gather [hbm4b:s5+s3], $0x80, v4, vm0, $0xb8;
	[tilespmem:$0x10400] =	vst v63  }
0x50: {  	v3 =	vadd.s32 v1, v3  }
0x51: {  	[tilespmem:s30], [sflag:$0x3] =	stream.indirect_vreg.gather [hbm4b:s6+s3], $0x80, v4, vm0, $0xb8;
	[tilespmem:$0x10400] =	vst v63  }
0x52: {  	s15 =	simm.s32 $0x9C00  }
0x53: {  	[tilespmem:s15], [sflag:$0x3] =	stream.indirect_vreg.gather [hbm4b:s7+s3], $0x80, v4, vm0, $0xb8;
	[tilespmem:$0x10400] =	vst v63  }
0x54: {  	s16 =	simm.s32 $0xA400  }
0x55: {  	[tilespmem:s16], [sflag:$0x3] =	stream.indirect_vreg.gather [hbm4b:s2+s3], $0x80, v3, vm0, $0xb8;
	[tilespmem:$0x10400] =	vst v63  }
0x56: {  	s17 =	simm.s32 $0xAC00  }
0x57: {  	[tilespmem:s17], [sflag:$0x3] =	stream.indirect_vreg.gather [hbm4b:s5+s3], $0x80, v3, vm0, $0xb8;
	[tilespmem:$0x10400] =	vst v63  }
0x58: {  	s18 =	simm.s32 $0xB400  }
0x59: {  	[tilespmem:s18], [sflag:$0x3] =	stream.indirect_vreg.gather [hbm4b:s6+s3], $0x80, v3, vm0, $0xb8;
	[tilespmem:$0x10400] =	vst v63  }
0x5a: {  	s19 =	simm.s32 $0xBC00  }
0x5b: {  	[tilespmem:s19], [sflag:$0x3] =	stream.indirect_vreg.gather [hbm4b:s7+s3], $0x80, v3, vm0, $0xb8;
	[tilespmem:$0x10400] =	vst v63  }
0x5c: {  	v3 =	vld [tilespmem:$0x30];
	_ =	sdelay $0x4  }
0x5d: {  	v63 =	vshll.u32 v3, $0x3  }
0x5e: {  	v3 =	vand.u32 $0x7, v3;
	v4 =	vand.u32 $0xFFFFFFC0, v63  }
0x5f: {  	v3 =	vor.u32 v3, v4  }
0x60: {  	v4 =	vperm.xlane v3, v0;
	_ =	sdelay $0x1  }
0x61: {  	v4 =	vadd.s32 v1, v4;
	_ =	sdelay $0x4  }
0x62: {  	[tilespmem:s12], [sflag:$0x4] =	stream.indirect_vreg.gather [hbm4b:s2+s3], $0x80, v4, vm0, $0xb8;
	[tilespmem:$0x10400] =	vst v63  }
0x63: {  	s20 =	simm.s32 $0xCC00;
	v3 =	vperm.xlane v3, v2  }
0x64: {  	[tilespmem:s20], [sflag:$0x4] =	stream.indirect_vreg.gather [hbm4b:s5+s3], $0x80, v4, vm0, $0xb8;
	[tilespmem:$0x10400] =	vst v63  }
0x65: {  	s22 =	simm.s32 $0xDC00;
	s28 =	simm.s32 $0x70;
	s21 =	simm.s32 $0xD400;
	v3 =	vadd.s32 v1, v3  }
0x66: {  	[tilespmem:s21], [sflag:$0x4] =	stream.indirect_vreg.gather [hbm4b:s6+s3], $0x80, v4, vm0, $0xb8;
	[tilespmem:$0x10400] =	vst v63  }
0x67: {  	s31 =	simm.s32 $0xEC00;
	s8 =	simm.s32 $0x8C00;
	s9 =	simm.s32 $0x9400  }
0x68: {  	[tilespmem:s22], [sflag:$0x4] =	stream.indirect_vreg.gather [hbm4b:s7+s3], $0x80, v4, vm0, $0xb8;
	[tilespmem:$0x10400] =	vst v63  }
0x69: {  	s10 =	simm.s32 $0xF400;
	s11 =	simm.s32 $0xFC00;
	s30 =	simm.s32 $0xE400  }
0x6a: {  	[tilespmem:s30], [sflag:$0x4] =	stream.indirect_vreg.gather [hbm4b:s2+s3], $0x80, v3, vm0, $0xb8;
	[tilespmem:$0x10400] =	vst v63  }
0x6b: {  	s14 =	simm.s32 $0x7C00;
	s29 =	simm.s32 $0x0;
	s15 =	simm.s32 $0x3C00  }
0x6c: {  	[tilespmem:s31], [sflag:$0x4] =	stream.indirect_vreg.gather [hbm4b:s5+s3], $0x80, v3, vm0, $0xb8;
	[tilespmem:$0x10400] =	vst v63  }
0x6d: {  	s16 =	simm.s32 $0x4C00;
	s17 =	simm.s32 $0x5400;
	s18 =	simm.s32 $0x5C00  }
0x6e: {  	[tilespmem:s10], [sflag:$0x4] =	stream.indirect_vreg.gather [hbm4b:s6+s3], $0x80, v3, vm0, $0xb8;
	[tilespmem:$0x10400] =	vst v63  }
0x6f: {  	s19 =	simm.s32 $0x6400;
	s20 =	simm.s32 $0x6C00;
	s21 =	simm.s32 $0x7400  }
0x70: {  	[tilespmem:s11], [sflag:$0x4] =	stream.indirect_vreg.gather [hbm4b:s7+s3], $0x80, v3, vm0, $0xb8;
	[tilespmem:$0x10400] =	vst v63  }
.LBB2_2:
0x71: {  	_ =	swait.ge [sflag:s23], $0x4000  }
0x72: {  	s30 =	rddreg [dreg:$0x4];
	[sflag:s23] =	ssyncset.done $0x0  }
0x73: {  	s0 =	simm.s32 $0x400;
	[sflag:s23] =	ssyncadd.s32 $0xFFFFC000;
	s30 =	sadd.s32 s29, s30  }
0x74: {  	[hbm4b:s30+s3] =	stream.linear.scatter [tilespmem:s0], [sflag:$0x5], $0x4000, $0x38;
	[tilespmem:$0x10400] =	vst v63  }
0x75: {  	_ =	swait.ge [sflag:s13], $0x4000  }
0x76: {  	[sflag:s13] =	ssyncset.done $0x0  }
0x77: {  	[sflag:s13] =	ssyncadd.s32 $0xFFFFC000  }
0x78: {  	v3 =	vld [tilespmem:s28+$0xFFFFFFD0];
	_ =	sdelay $0x4  }
0x79: {  	v4 =	vshll.u32 v3, $0x3  }
0x7a: {  	v3 =	vand.u32 $0x7, v3;
	v4 =	vand.u32 $0xFFFFFFC0, v4  }
0x7b: {  	v3 =	vor.u32 v3, v4  }
0x7c: {  	v4 =	vperm.xlane v3, v0;
	_ =	sdelay $0x1  }
0x7d: {  	v4 =	vadd.s32 v1, v4;
	_ =	sdelay $0x4  }
0x7e: {  	[tilespmem:s0], [sflag:$0x1] =	stream.indirect_vreg.gather [hbm4b:s2+s3], $0x80, v4, vm0, $0xb8;
	[tilespmem:$0x10400] =	vst v63  }
0x7f: {  	s1 =	simm.s32 $0xC00;
	v3 =	vperm.xlane v3, v2  }
0x80: {  	[tilespmem:s1], [sflag:$0x1] =	stream.indirect_vreg.gather [hbm4b:s5+s3], $0x80, v4, vm0, $0xb8;
	[tilespmem:$0x10400] =	vst v63  }
0x81: {  	s4 =	simm.s32 $0x1400;
	v3 =	vadd.s32 v1, v3  }
0x82: {  	[tilespmem:s4], [sflag:$0x1] =	stream.indirect_vreg.gather [hbm4b:s6+s3], $0x80, v4, vm0, $0xb8;
	[tilespmem:$0x10400] =	vst v63  }
0x83: {  	s31 =	simm.s32 $0x1C00  }
0x84: {  	[tilespmem:s31], [sflag:$0x1] =	stream.indirect_vreg.gather [hbm4b:s7+s3], $0x80, v4, vm0, $0xb8;
	[tilespmem:$0x10400] =	vst v63  }
0x85: {  	s1 =	simm.s32 $0x2400  }
0x86: {  	[tilespmem:s1], [sflag:$0x1] =	stream.indirect_vreg.gather [hbm4b:s2+s3], $0x80, v3, vm0, $0xb8;
	[tilespmem:$0x10400] =	vst v63  }
0x87: {  	s4 =	simm.s32 $0x2C00  }
0x88: {  	[tilespmem:s4], [sflag:$0x1] =	stream.indirect_vreg.gather [hbm4b:s5+s3], $0x80, v3, vm0, $0xb8;
	[tilespmem:$0x10400] =	vst v63  }
0x89: {  	s31 =	simm.s32 $0x3400  }
0x8a: {  	[tilespmem:s31], [sflag:$0x1] =	stream.indirect_vreg.gather [hbm4b:s6+s3], $0x80, v3, vm0, $0xb8;
	[tilespmem:$0x10400] =	vst v63  }
0x8b: {  	_ = 	snop  }
0x8c: {  	[tilespmem:s15], [sflag:$0x1] =	stream.indirect_vreg.gather [hbm4b:s7+s3], $0x80, v3, vm0, $0xb8;
	[tilespmem:$0x10400] =	vst v63  }
0x8d: {  	_ =	swait.ge [sflag:s24], $0x4000  }
0x8e: {  	[sflag:s24] =	ssyncset.done $0x0  }
0x8f: {  	s1 =	sadd.s32 $0x800, s30;
	s4 =	simm.s32 $0x4400;
	[sflag:s24] =	ssyncadd.s32 $0xFFFFC000  }
0x90: {  	[hbm4b:s1+s3] =	stream.linear.scatter [tilespmem:s4], [sflag:$0x5], $0x4000, $0x38;
	[tilespmem:$0x10400] =	vst v63  }
0x91: {  	_ =	swait.ge [sflag:s13], $0x4000  }
0x92: {  	[sflag:s13] =	ssyncset.done $0x0  }
0x93: {  	[sflag:s13] =	ssyncadd.s32 $0xFFFFC000  }
0x94: {  	v3 =	vld [tilespmem:s28+$0xFFFFFFE0];
	_ =	sdelay $0x4  }
0x95: {  	v61 =	vshll.u32 v3, $0x3  }
0x96: {  	v3 =	vand.u32 $0x7, v3;
	v4 =	vand.u32 $0xFFFFFFC0, v61  }
0x97: {  	v3 =	vor.u32 v3, v4  }
0x98: {  	v4 =	vperm.xlane v3, v0;
	_ =	sdelay $0x1  }
0x99: {  	v4 =	vadd.s32 v1, v4;
	_ =	sdelay $0x4  }
0x9a: {  	[tilespmem:s4], [sflag:$0x2] =	stream.indirect_vreg.gather [hbm4b:s2+s3], $0x80, v4, vm0, $0xb8;
	[tilespmem:$0x10400] =	vst v63  }
0x9b: {  	v3 =	vperm.xlane v3, v2  }
0x9c: {  	[tilespmem:s16], [sflag:$0x2] =	stream.indirect_vreg.gather [hbm4b:s5+s3], $0x80, v4, vm0, $0xb8;
	[tilespmem:$0x10400] =	vst v63  }
0x9d: {  	v3 =	vadd.s32 v1, v3  }
0x9e: {  	[tilespmem:s17], [sflag:$0x2] =	stream.indirect_vreg.gather [hbm4b:s6+s3], $0x80, v4, vm0, $0xb8;
	[tilespmem:$0x10400] =	vst v63  }
0x9f: {  	_ = 	snop  }
0xa0: {  	[tilespmem:s18], [sflag:$0x2] =	stream.indirect_vreg.gather [hbm4b:s7+s3], $0x80, v4, vm0, $0xb8;
	[tilespmem:$0x10400] =	vst v63  }
0xa1: {  	_ = 	snop  }
0xa2: {  	[tilespmem:s19], [sflag:$0x2] =	stream.indirect_vreg.gather [hbm4b:s2+s3], $0x80, v3, vm0, $0xb8;
	[tilespmem:$0x10400] =	vst v63  }
0xa3: {  	_ = 	snop  }
0xa4: {  	[tilespmem:s20], [sflag:$0x2] =	stream.indirect_vreg.gather [hbm4b:s5+s3], $0x80, v3, vm0, $0xb8;
	[tilespmem:$0x10400] =	vst v63  }
0xa5: {  	_ = 	snop  }
0xa6: {  	[tilespmem:s21], [sflag:$0x2] =	stream.indirect_vreg.gather [hbm4b:s6+s3], $0x80, v3, vm0, $0xb8;
	[tilespmem:$0x10400] =	vst v63  }
0xa7: {  	_ = 	snop  }
0xa8: {  	[tilespmem:s14], [sflag:$0x2] =	stream.indirect_vreg.gather [hbm4b:s7+s3], $0x80, v3, vm0, $0xb8;
	[tilespmem:$0x10400] =	vst v63  }
0xa9: {  	_ =	swait.ge [sflag:s25], $0x4000  }
0xaa: {  	[sflag:s25] =	ssyncset.done $0x0  }
0xab: {  	s31 =	simm.s32 $0x8400;
	s4 =	sadd.s32 $0x1000, s30;
	[sflag:s25] =	ssyncadd.s32 $0xFFFFC000  }
0xac: {  	[hbm4b:s4+s3] =	stream.linear.scatter [tilespmem:s31], [sflag:$0x5], $0x4000, $0x38;
	[tilespmem:$0x10400] =	vst v63  }
0xad: {  	_ =	swait.ge [sflag:s13], $0x4000  }
0xae: {  	[sflag:s13] =	ssyncset.done $0x0  }
0xaf: {  	[sflag:s13] =	ssyncadd.s32 $0xFFFFC000  }
0xb0: {  	v3 =	vld [tilespmem:s28+$0xFFFFFFF0];
	_ =	sdelay $0x4  }
0xb1: {  	v62 =	vshll.u32 v3, $0x3  }
0xb2: {  	v3 =	vand.u32 $0x7, v3;
	v4 =	vand.u32 $0xFFFFFFC0, v62  }
0xb3: {  	v3 =	vor.u32 v3, v4  }
0xb4: {  	v4 =	vperm.xlane v3, v0;
	_ =	sdelay $0x1  }
0xb5: {  	v4 =	vadd.s32 v1, v4;
	_ =	sdelay $0x4  }
0xb6: {  	[tilespmem:s31], [sflag:$0x3] =	stream.indirect_vreg.gather [hbm4b:s2+s3], $0x80, v4, vm0, $0xb8;
	[tilespmem:$0x10400] =	vst v63  }
0xb7: {  	v3 =	vperm.xlane v3, v2  }
0xb8: {  	[tilespmem:s8], [sflag:$0x3] =	stream.indirect_vreg.gather [hbm4b:s5+s3], $0x80, v4, vm0, $0xb8;
	[tilespmem:$0x10400] =	vst v63  }
0xb9: {  	v3 =	vadd.s32 v1, v3  }
0xba: {  	[tilespmem:s9], [sflag:$0x3] =	stream.indirect_vreg.gather [hbm4b:s6+s3], $0x80, v4, vm0, $0xb8;
	[tilespmem:$0x10400] =	vst v63  }
0xbb: {  	s31 =	simm.s32 $0x9C00  }
0xbc: {  	[tilespmem:s31], [sflag:$0x3] =	stream.indirect_vreg.gather [hbm4b:s7+s3], $0x80, v4, vm0, $0xb8;
	[tilespmem:$0x10400] =	vst v63  }
0xbd: {  	s31 =	simm.s32 $0xA400  }
0xbe: {  	[tilespmem:s31], [sflag:$0x3] =	stream.indirect_vreg.gather [hbm4b:s2+s3], $0x80, v3, vm0, $0xb8;
	[tilespmem:$0x10400] =	vst v63  }
0xbf: {  	s31 =	simm.s32 $0xAC00  }
0xc0: {  	[tilespmem:s31], [sflag:$0x3] =	stream.indirect_vreg.gather [hbm4b:s5+s3], $0x80, v3, vm0, $0xb8;
	[tilespmem:$0x10400] =	vst v63  }
0xc1: {  	s31 =	simm.s32 $0xB400  }
0xc2: {  	[tilespmem:s31], [sflag:$0x3] =	stream.indirect_vreg.gather [hbm4b:s6+s3], $0x80, v3, vm0, $0xb8;
	[tilespmem:$0x10400] =	vst v63  }
0xc3: {  	s31 =	simm.s32 $0xBC00  }
0xc4: {  	[tilespmem:s31], [sflag:$0x3] =	stream.indirect_vreg.gather [hbm4b:s7+s3], $0x80, v3, vm0, $0xb8;
	[tilespmem:$0x10400] =	vst v63  }
0xc5: {  	_ =	swait.ge [sflag:s26], $0x4000  }
0xc6: {  	[sflag:s26] =	ssyncset.done $0x0  }
0xc7: {  	s30 =	sadd.s32 $0x1800, s30;
	[sflag:s26] =	ssyncadd.s32 $0xFFFFC000  }
0xc8: {  	[hbm4b:s30+s3] =	stream.linear.scatter [tilespmem:s12], [sflag:$0x5], $0x4000, $0x38;
	[tilespmem:$0x10400] =	vst v63  }
0xc9: {  	_ =	swait.ge [sflag:s13], $0x4000  }
0xca: {  	[sflag:s13] =	ssyncset.done $0x0  }
0xcb: {  	[sflag:s13] =	ssyncadd.s32 $0xFFFFC000  }
0xcc: {  	v3 =	vld [tilespmem:s28+$0x0];
	_ =	sdelay $0x4  }
0xcd: {  	v63 =	vshll.u32 v3, $0x3  }
0xce: {  	v3 =	vand.u32 $0x7, v3;
	v4 =	vand.u32 $0xFFFFFFC0, v63  }
0xcf: {  	v3 =	vor.u32 v3, v4  }
0xd0: {  	v4 =	vperm.xlane v3, v0;
	_ =	sdelay $0x1  }
0xd1: {  	v4 =	vadd.s32 v1, v4;
	_ =	sdelay $0x4  }
0xd2: {  	[tilespmem:s12], [sflag:$0x4] =	stream.indirect_vreg.gather [hbm4b:s2+s3], $0x80, v4, vm0, $0xb8;
	[tilespmem:$0x10400] =	vst v63  }
0xd3: {  	s31 =	simm.s32 $0xCC00;
	v3 =	vperm.xlane v3, v2  }
0xd4: {  	[tilespmem:s31], [sflag:$0x4] =	stream.indirect_vreg.gather [hbm4b:s5+s3], $0x80, v4, vm0, $0xb8;
	[tilespmem:$0x10400] =	vst v63  }
0xd5: {  	s30 =	simm.s32 $0xD400;
	v3 =	vadd.s32 v1, v3  }
0xd6: {  	[tilespmem:s30], [sflag:$0x4] =	stream.indirect_vreg.gather [hbm4b:s6+s3], $0x80, v4, vm0, $0xb8;
	[tilespmem:$0x10400] =	vst v63  }
0xd7: {  	s31 =	simm.s32 $0xDC00  }
0xd8: {  	[tilespmem:s31], [sflag:$0x4] =	stream.indirect_vreg.gather [hbm4b:s7+s3], $0x80, v4, vm0, $0xb8;
	[tilespmem:$0x10400] =	vst v63  }
0xd9: {  	s30 =	simm.s32 $0xE400  }
0xda: {  	[tilespmem:s30], [sflag:$0x4] =	stream.indirect_vreg.gather [hbm4b:s2+s3], $0x80, v3, vm0, $0xb8;
	[tilespmem:$0x10400] =	vst v63  }
0xdb: {  	p0 =	sne.s32 s29, $0x1C000;
	s31 =	simm.s32 $0xEC00  }
0xdc: {  	[tilespmem:s31], [sflag:$0x4] =	stream.indirect_vreg.gather [hbm4b:s5+s3], $0x80, v3, vm0, $0xb8;
	[tilespmem:$0x10400] =	vst v63  }
.Ltmp0:
0xdd: {  	_ = 	snop;
	(pc) =	sbr.rel @p0 .LBB2_2-.Ltmp0, $4  }
0xde: {  	s22 =	simm.s32 $0x400;
	s29 =	sadd.s32 $0x2000, s29  }
0xdf: {  	[tilespmem:s10], [sflag:$0x4] =	stream.indirect_vreg.gather [hbm4b:s6+s3], $0x80, v3, vm0, $0xb8;
	[tilespmem:$0x10400] =	vst v63  }
0xe0: {  	s1 =	simm.s32 $0x4400;
	s4 =	simm.s32 $0x8400;
	s28 =	sadd.s32 $0x40, s28  }
0xe1: {  	[tilespmem:s11], [sflag:$0x4] =	stream.indirect_vreg.gather [hbm4b:s7+s3], $0x80, v3, vm0, $0xb8;
	[tilespmem:$0x10400] =	vst v63  }
0xe2: {  	_ =	swait.ge [sflag:s23], $0x4000  }
0xe3: {  	[sflag:s23] =	ssyncset.done $0x0  }
0xe4: {  	s0 =	rddreg [dreg:$0x6];
	[sflag:s23] =	ssyncadd.s32 $0xFFFFC000  }
0xe5: {  	[hbm4b:s0+s3] =	stream.linear.scatter [tilespmem:s22], [sflag:$0x5], $0x4000, $0x38;
	[tilespmem:$0x10400] =	vst v63  }
0xe6: {  	_ =	swait.ge [sflag:s13], $0x4000  }
0xe7: {  	[sflag:s13] =	ssyncset.done $0x0  }
0xe8: {  	[sflag:s13] =	ssyncadd.s32 $0xFFFFC000  }
0xe9: {  	_ =	swait.ge [sflag:s24], $0x4000  }
0xea: {  	[sflag:s24] =	ssyncset.done $0x0  }
0xeb: {  	s18 =	rddreg [dreg:$0x7];
	[sflag:s24] =	ssyncadd.s32 $0xFFFFC000  }
0xec: {  	[hbm4b:s18+s3] =	stream.linear.scatter [tilespmem:s1], [sflag:$0x5], $0x4000, $0x38;
	[tilespmem:$0x10400] =	vst v63  }
0xed: {  	_ =	swait.ge [sflag:s13], $0x4000  }
0xee: {  	[sflag:s13] =	ssyncset.done $0x0  }
0xef: {  	[sflag:s13] =	ssyncadd.s32 $0xFFFFC000  }
0xf0: {  	_ =	swait.ge [sflag:s25], $0x4000  }
0xf1: {  	[sflag:s25] =	ssyncset.done $0x0  }
0xf2: {  	s19 =	rddreg [dreg:$0x8];
	[sflag:s25] =	ssyncadd.s32 $0xFFFFC000  }
0xf3: {  	[hbm4b:s19+s3] =	stream.linear.scatter [tilespmem:s4], [sflag:$0x5], $0x4000, $0x38;
	[tilespmem:$0x10400] =	vst v63  }
0xf4: {  	_ =	swait.ge [sflag:s13], $0x4000  }
0xf5: {  	[sflag:s13] =	ssyncset.done $0x0  }
0xf6: {  	[sflag:s13] =	ssyncadd.s32 $0xFFFFC000  }
0xf7: {  	_ =	swait.ge [sflag:s26], $0x4000  }
0xf8: {  	[sflag:s26] =	ssyncset.done $0x0  }
0xf9: {  	s20 =	rddreg [dreg:$0x9];
	[sflag:s26] =	ssyncadd.s32 $0xFFFFC000  }
0xfa: {  	[hbm4b:s20+s3] =	stream.linear.scatter [tilespmem:s12], [sflag:$0x5], $0x4000, $0x38;
	[tilespmem:$0x10400] =	vst v63  }
0xfb: {  	_ =	swait.ge [sflag:s13], $0x4000  }
0xfc: {  	s28 =	simm.s32 $0xC00;
	s31 =	simm.s32 $0x1400;
	s8 =	rddreg [dreg:$0xb]  }
0xfd: {  	s9 =	simm.s32 $0x2400;
	s21 =	rddreg [dreg:$0xa];
	s8 =	sadd.s32 $0x1, s8  }
0xfe: {  	s10 =	simm.s32 $0x2C00;
	s11 =	simm.s32 $0x3400;
	p0 =	sne.s32 s8, s21  }
.Ltmp1:
0xff: {  	s15 =	simm.s32 $0x3C00;
	s16 =	simm.s32 $0x4C00;
	(pc) =	sbr.rel @p0 .LBB2_1-.Ltmp1, $4  }
0x100: {  	s17 =	simm.s32 $0x5400;
	s14 =	simm.s32 $0x7C00;
	s29 =	simm.s32 $0x8C00  }
0x101: {  	s30 =	simm.s32 $0x9400;
	s18 =	simm.s32 $0x5C00;
	[sflag:s13] =	ssyncset.done $0x0  }
0x102: {  	s19 =	simm.s32 $0x6400;
	s20 =	simm.s32 $0x6C00;
	[sflag:s13] =	ssyncadd.s32 $0xFFFFC000  }
0x103: {  	[dreg:$0xb] =	wrdreg s8;
	s8 =	simm.s32 $0x1C00;
	s21 =	simm.s32 $0x7400  }
0x104: {  	_ =	sfence.sel $0x180000  }
0x105: {  	[bflag:$0x0] =	sbarrier.arrive $0xFFFF  }
0x106: {  	_ =	strace $0x90000047  }
0x107: {  	s0 =	stileid.u32;
	[bflag:$0x2] =	sbarrier.arrive $0xFFFF  }
0x108: {  	p0 =	sne.s32 s0, $0x0;
	s0 =	rddreg [dreg:$0x3]  }
0x109: {  	s0 =	sadd.s32 @!p0 $0x100000, s0  }
0x10a: {  	[sflag:s0] =	ssyncadd.tile.s32 @!p0 $0x1;
	_ =	shalt  }
.Lfunc_end2:
_tile_overlayer_lowered:
.L_overlay_start_2:
0x10b: {  	(tag) =	ssettag $0x2  }
0x10c: {  	s0 =	rddreg [dreg:$0x0];
	s2 =	stileid.u32  }
0x10d: {  	s1 =	rddreg [dreg:$0x1];
	p0 =	sne.s32 s2, $0x0  }
0x10e: {  	s3 =	rddreg [dreg:$0x2];
	[bflag:$0x3] =	sbarrier.arrive $0xFFFF;
	s2 =	simm.s32 @!p0 $0x1C05  }
0x10f: {  	[timem:s3], [sflag:s2] =	dma.local @!p0 [hbm:s0], s1  }
0x110: {  	s0 =	simm.s32 @!p0 $0x5  }
0x111: {  	_ =	swait.ge @!p0 [sflag:s0], s1  }
0x112: {  	s1 =	ssub.s32 @!p0 $0x0, s1;
	[sflag:s0] =	ssyncset.done @!p0 $0x0  }
0x113: {  	[sflag:s0] =	ssyncadd.s32 @!p0 s1  }
0x114: {  	[bflag:$0x3] =	sbarrier.arrive $0xFFFF  }
0x115: {  	_ =	shalt  }

</sc_bundles>
